<compile_context>
chip_gen: v7x
topology: tpu7x:2x2x1
jax: 0.10.2.dev20260603
libtpu: 0.0.44.dev20260713+nightly
codegen_flags: <defaults>
</compile_context>

<pallas_src>
import functools

import jax
import jax.numpy as jnp
from jax import lax
from jax.experimental import pallas as pl
from jax.experimental.pallas import tpu as pltpu
from jax.experimental.pallas import tpu_sc as plsc

TEMP = 11.313708498984761
N = 320000
D = 128
NSEG = 10000

ROWS = N // D
TBL = 10016

RPW = 80
TAIL = ROWS - 31 * RPW

TC_BLK = 12800


def _scores_body(q_ref, k_ref, s_ref, gmax_ref):
    i = pl.program_id(0)
    s = jnp.sum(q_ref[...] * k_ref[...], axis=1)
    s2 = s.reshape(TC_BLK // D, D) * (1.0 / TEMP)
    s_ref[...] = s2.reshape(1, TC_BLK // D, D)
    bmax = jnp.broadcast_to(jnp.max(s2, keepdims=True).reshape(1, 1), (1, 16))

    @pl.when(i == 0)
    def _():
        gmax_ref[...] = bmax

    @pl.when(i > 0)
    def _():
        gmax_ref[...] = jnp.maximum(gmax_ref[...], bmax)


def _scores(q, k):
    return pl.pallas_call(
        _scores_body,
        grid=(N // TC_BLK,),
        in_specs=[
            pl.BlockSpec((TC_BLK, D), lambda i: (i, 0)),
            pl.BlockSpec((TC_BLK, D), lambda i: (i, 0)),
        ],
        out_specs=[
            pl.BlockSpec((1, TC_BLK // D, D), lambda i: (i, 0, 0)),
            pl.BlockSpec((1, 16), lambda i: (0, 0)),
        ],
        out_shape=[
            jax.ShapeDtypeStruct((N // TC_BLK, TC_BLK // D, D), jnp.float32),
            jax.ShapeDtypeStruct((1, 16), jnp.float32),
        ],
        compiler_params=pltpu.CompilerParams(
            dimension_semantics=("arbitrary",)),
    )(q, k)


def _sc_segsum_body(s_hbm, idx_hbm, gmax_hbm, zero_hbm, e_hbm, part_hbm,
                    sv, iv, ev, gv, tbl, sem):
    cid = lax.axis_index("c")
    sid = lax.axis_index("s")
    wid = cid * 16 + sid
    base = wid * RPW
    nrows = jnp.where(wid == 31, TAIL, RPW)

    @pl.when(wid < 31)
    def _():
        pltpu.async_copy(s_hbm.at[pl.ds(base, RPW)], sv, sem)
        pltpu.async_copy(idx_hbm.at[pl.ds(base, RPW)], iv, sem)

    @pl.when(wid == 31)
    def _():
        pltpu.async_copy(s_hbm.at[pl.ds(31 * RPW, TAIL)],
                         sv.at[pl.ds(0, TAIL)], sem)
        pltpu.async_copy(idx_hbm.at[pl.ds(31 * RPW, TAIL)],
                         iv.at[pl.ds(0, TAIL)], sem)

    pltpu.sync_copy(gmax_hbm, gv)
    m = gv[0, :]

    @pl.when(wid < 31)
    def _():
        pltpu.make_async_copy(s_hbm.at[pl.ds(base, RPW)], sv, sem).wait()
        pltpu.make_async_copy(idx_hbm.at[pl.ds(base, RPW)], iv, sem).wait()

    @pl.when(wid == 31)
    def _():
        pltpu.make_async_copy(s_hbm.at[pl.ds(31 * RPW, TAIL)],
                              sv.at[pl.ds(0, TAIL)], sem).wait()
        pltpu.make_async_copy(idx_hbm.at[pl.ds(31 * RPW, TAIL)],
                              iv.at[pl.ds(0, TAIL)], sem).wait()

    def exp_row(r, carry):
        def exp_col(c, carry2):
            sl = pl.ds(c * 16, 16)
            ev[r, sl] = jnp.exp(sv[r, sl] - m)
            return carry2

        lax.fori_loop(0, D // 16, exp_col, 0)
        return carry

    lax.fori_loop(0, nrows, exp_row, 0)

    @pl.when(wid < 31)
    def _():
        pltpu.sync_copy(ev, e_hbm.at[pl.ds(base, RPW)])

    @pl.when(wid == 31)
    def _():
        pltpu.sync_copy(ev.at[pl.ds(0, TAIL)], e_hbm.at[pl.ds(31 * RPW, TAIL)])

    @pl.when(sid == 0)
    def _():
        pltpu.sync_copy(zero_hbm, tbl)

    plsc.subcore_barrier()

    def body(j, carry):
        pltpu.sync_copy(ev.at[j], tbl.at[iv.at[j]], add=True)
        return carry

    lax.fori_loop(0, nrows, body, 0)
    plsc.subcore_barrier()

    @pl.when(sid == 0)
    def _():
        pltpu.sync_copy(tbl, part_hbm.at[cid])


def _sc_normalize_body(e_hbm, idx_hbm, part_hbm, out_hbm, ev, iv, ov, pv, dv,
                       sem):
    cid = lax.axis_index("c")
    sid = lax.axis_index("s")
    wid = cid * 16 + sid
    base = wid * RPW
    nrows = jnp.where(wid == 31, TAIL, RPW)

    @pl.when(wid < 31)
    def _():
        pltpu.async_copy(e_hbm.at[pl.ds(base, RPW)], ev, sem)
        pltpu.async_copy(idx_hbm.at[pl.ds(base, RPW)], iv, sem)

    @pl.when(wid == 31)
    def _():
        pltpu.async_copy(e_hbm.at[pl.ds(31 * RPW, TAIL)],
                         ev.at[pl.ds(0, TAIL)], sem)
        pltpu.async_copy(idx_hbm.at[pl.ds(31 * RPW, TAIL)],
                         iv.at[pl.ds(0, TAIL)], sem)

    pltpu.sync_copy(part_hbm, pv)

    @pl.when(wid < 31)
    def _():
        pltpu.make_async_copy(e_hbm.at[pl.ds(base, RPW)], ev, sem).wait()
        pltpu.make_async_copy(idx_hbm.at[pl.ds(base, RPW)], iv, sem).wait()

    @pl.when(wid == 31)
    def _():
        pltpu.make_async_copy(e_hbm.at[pl.ds(31 * RPW, TAIL)],
                              ev.at[pl.ds(0, TAIL)], sem).wait()
        pltpu.make_async_copy(idx_hbm.at[pl.ds(31 * RPW, TAIL)],
                              iv.at[pl.ds(0, TAIL)], sem).wait()

    def combine(t, carry):
        sl = pl.ds(t * 16, 16)
        dv[sl] = pv[0, sl] + pv[1, sl]
        return carry

    lax.fori_loop(0, TBL // 16, combine, 0)

    def row(r, carry):
        def col(c, carry2):
            sl = pl.ds(c * 16, 16)
            d = plsc.load_gather(dv, [iv[r, sl]])
            ov[r, sl] = ev[r, sl] / d
            return carry2

        lax.fori_loop(0, D // 16, col, 0)
        return carry

    lax.fori_loop(0, nrows, row, 0)

    @pl.when(wid < 31)
    def _():
        pltpu.sync_copy(ov, out_hbm.at[pl.ds(base, RPW)])

    @pl.when(wid == 31)
    def _():
        pltpu.sync_copy(ov.at[pl.ds(0, TAIL)],
                        out_hbm.at[pl.ds(31 * RPW, TAIL)])


@functools.lru_cache(maxsize=1)
def _sc_kernels():
    mesh = plsc.VectorSubcoreMesh(
        core_axis_name="c", subcore_axis_name="s",
        num_cores=2, num_subcores=16)
    segsum = pl.kernel(
        _sc_segsum_body,
        out_type=(
            jax.ShapeDtypeStruct((ROWS, D), jnp.float32),
            jax.ShapeDtypeStruct((2, TBL), jnp.float32),
        ),
        mesh=mesh,
        compiler_params=pltpu.CompilerParams(needs_layout_passes=False),
        scratch_types=[
            pltpu.VMEM((RPW, D), jnp.float32),
            pltpu.VMEM((RPW, D), jnp.int32),
            pltpu.VMEM((RPW, D), jnp.float32),
            pltpu.VMEM((1, 16), jnp.float32),
            pltpu.VMEM_SHARED((TBL,), jnp.float32),
            pltpu.SemaphoreType.DMA,
        ],
    )
    normalize = pl.kernel(
        _sc_normalize_body,
        out_type=jax.ShapeDtypeStruct((ROWS, D), jnp.float32),
        mesh=mesh,
        compiler_params=pltpu.CompilerParams(needs_layout_passes=False),
        scratch_types=[
            pltpu.VMEM((RPW, D), jnp.float32),
            pltpu.VMEM((RPW, D), jnp.int32),
            pltpu.VMEM((RPW, D), jnp.float32),
            pltpu.VMEM((2, TBL), jnp.float32),
            pltpu.VMEM((TBL,), jnp.float32),
            pltpu.SemaphoreType.DMA,
        ],
    )
    return segsum, normalize


def kernel(q, k, index):
    s, gmax = _scores(q, k)
    zeros = jnp.zeros((TBL,), jnp.float32)
    segsum, normalize = _sc_kernels()
    e, part = segsum(s.reshape(ROWS, D), index.reshape(ROWS, D), gmax, zeros)
    out = normalize(e, index.reshape(ROWS, D), part)
    return out.reshape(-1)

# --- scband reference (transcript-rebuilt; emitter-appended) ---
"""Pipeline reference for scband-flatten-scaled-dot-product-33509334843951 (READ-ONLY COPY).

The authoritative reference and input builder live on the scoring server;
editing this copy changes nothing except your own understanding.
"""

import jax, jax.numpy as jnp
import numpy as np

TEMPERATURE = 11.313708498984761
NUM_SEGMENTS = 10000


def setup_inputs(seed: int = 0) -> dict:
    key = jax.random.key(seed)
    k1, k2, k3 = jax.random.split(key, 3)
    q = jax.random.normal(k1, (320000, 128), dtype=jnp.float32)
    k = jax.random.normal(k2, (320000, 128), dtype=jnp.float32)
    index = jnp.sort(jax.random.randint(k3, (320000,), 0, NUM_SEGMENTS, dtype=jnp.int32))
    return {"q": q, "k": k, "index": index}


def _scatter_softmax(scores, index, num_segments):
    # numerically-stable segment softmax over groups defined by index
    seg_max = jax.ops.segment_max(scores, index, num_segments=num_segments)
    # empty segments give -inf; they are never gathered back, but guard anyway
    seg_max = jnp.where(jnp.isfinite(seg_max), seg_max, 0.0)
    shifted = scores - seg_max[index]
    e = jnp.exp(shifted)
    denom = jax.ops.segment_sum(e, index, num_segments=num_segments)
    return e / denom[index]


def reference(q, k, index):
    # non-batched path: q.dim() == 2 -> einsum('ij,ij->i')
    attn_score = jnp.sum(q * k, axis=-1)
    attn_score = attn_score / TEMPERATURE
    attn_score = _scatter_softmax(attn_score, index, NUM_SEGMENTS)
    # dropout p=0.0 -> identity
    return attn_score

if __name__ == "__main__":
    import jax
    _d = setup_inputs()
    print(jax.jit(kernel)(*tuple(_d.values())))

</pallas_src>

<mosaic_0001>
#map = affine_map<(d0, d1) -> (0, 0)>
module attributes {stable_mosaic.version = 14 : i64} {
  func.func @_sc_normalize_body(%arg0: i32, %arg1: i32, %arg2: memref<2500x128xf32, #tpu.memory_space<hbm>>, %arg3: memref<2500x128xi32, #tpu.memory_space<hbm>>, %arg4: memref<2x10016xf32, #tpu.memory_space<hbm>>, %arg5: memref<2500x128xf32, #tpu.memory_space<hbm>>, %arg6: memref<80x128xf32, #tpu.memory_space<vmem>>, %arg7: memref<80x128xi32, #tpu.memory_space<vmem>>, %arg8: memref<80x128xf32, #tpu.memory_space<vmem>>, %arg9: memref<2x10016xf32, #tpu.memory_space<vmem>>, %arg10: memref<10016xf32, #tpu.memory_space<vmem>>, %arg11: memref<!tpu.dma_semaphore, #tpu.memory_space<semaphore_mem>>) attributes {dimension_semantics = [#tpu.dimension_semantics<core_parallel>, #tpu.dimension_semantics<subcore_parallel>], iteration_bounds = array<i64: 2, 16>, scalar_prefetch = 0 : i64, scratch_operands = 6 : i64, tpu.core_type = #tpu.core_type<sc_vector_subcore>, window_params = [{transform_indices = #map}, {transform_indices = #map}, {transform_indices = #map}, {transform_indices = #map}]} {
    %mul3A = arith.constant 16 : i32
    %mul3A_0 = arith.muli %arg0, %mul3A : i32
    %add3A = arith.addi %mul3A_0, %arg1 : i32
    %mul3A_1 = arith.constant 80 : i32
    %mul3A_2 = arith.muli %add3A, %mul3A_1 : i32
    %eq3A = arith.constant 31 : i32
    %eq3A_3 = arith.cmpi eq, %add3A, %eq3A : i32
    %jit3A = arith.constant 20 : i32
    %jit3A_4 = arith.constant 80 : i32
    %select_n3A = arith.select %eq3A_3, %jit3A, %jit3A_4 : i32
    %lt3A = arith.constant 31 : i32
    %lt3A_5 = arith.cmpi slt, %add3A, %lt3A : i32
    %convert_element_type3A = arith.extui %lt3A_5 : i1 to i32
    %cond3A = arith.constant 0 : i32
    %cond3A_6 = arith.cmpi ne, %convert_element_type3A, %cond3A : i32
    scf.if %cond3A_6 {
      %dma_start3A = arith.constant 0 : i32
      %dma_start3A_46 = tpu.memref_slice %arg2[%mul3A_2, %dma_start3A] : memref<2500x128xf32, #tpu.memory_space<hbm>> -> memref<80x128xf32, #tpu.memory_space<hbm>>
      %dma_start3A_47 = arith.constant 0 : i32
      %dma_start3A_48 = tpu.memref_slice %arg2[%mul3A_2, %dma_start3A_47] : memref<2500x128xf32, #tpu.memory_space<hbm>> -> memref<80x128xf32, #tpu.memory_space<hbm>>
      tpu.enqueue_dma source(%dma_start3A_48 : memref<80x128xf32, #tpu.memory_space<hbm>>) target(%arg6 : memref<80x128xf32, #tpu.memory_space<vmem>>) target_semaphore(%arg11 : memref<!tpu.dma_semaphore, #tpu.memory_space<semaphore_mem>>)
      %dma_start3A_49 = arith.constant 0 : i32
      %dma_start3A_50 = tpu.memref_slice %arg3[%mul3A_2, %dma_start3A_49] : memref<2500x128xi32, #tpu.memory_space<hbm>> -> memref<80x128xi32, #tpu.memory_space<hbm>>
      %dma_start3A_51 = arith.constant 0 : i32
      %dma_start3A_52 = tpu.memref_slice %arg3[%mul3A_2, %dma_start3A_51] : memref<2500x128xi32, #tpu.memory_space<hbm>> -> memref<80x128xi32, #tpu.memory_space<hbm>>
      tpu.enqueue_dma source(%dma_start3A_52 : memref<80x128xi32, #tpu.memory_space<hbm>>) target(%arg7 : memref<80x128xi32, #tpu.memory_space<vmem>>) target_semaphore(%arg11 : memref<!tpu.dma_semaphore, #tpu.memory_space<semaphore_mem>>)
    } else {
    }
    %eq3A_7 = arith.constant 31 : i32
    %eq3A_8 = arith.cmpi eq, %add3A, %eq3A_7 : i32
    %convert_element_type3A_9 = arith.extui %eq3A_8 : i1 to i32
    %cond3A_10 = arith.constant 0 : i32
    %cond3A_11 = arith.cmpi ne, %convert_element_type3A_9, %cond3A_10 : i32
    scf.if %cond3A_11 {
      %dma_start3A = arith.constant 0 : i32
      %dma_start3A_46 = arith.constant 0 : i32
      %dma_start3A_47 = tpu.memref_slice %arg6[%dma_start3A, %dma_start3A_46] : memref<80x128xf32, #tpu.memory_space<vmem>> -> memref<20x128xf32, #tpu.memory_space<vmem>>
      %dma_start3A_48 = arith.constant 2480 : i32
      %dma_start3A_49 = arith.constant 0 : i32
      %dma_start3A_50 = tpu.memref_slice %arg2[%dma_start3A_48, %dma_start3A_49] : memref<2500x128xf32, #tpu.memory_space<hbm>> -> memref<20x128xf32, #tpu.memory_space<hbm>>
      %dma_start3A_51 = arith.constant 0 : i32
      %dma_start3A_52 = arith.constant 0 : i32
      %dma_start3A_53 = tpu.memref_slice %arg6[%dma_start3A_51, %dma_start3A_52] : memref<80x128xf32, #tpu.memory_space<vmem>> -> memref<20x128xf32, #tpu.memory_space<vmem>>
      %dma_start3A_54 = arith.constant 2480 : i32
      %dma_start3A_55 = arith.constant 0 : i32
      %dma_start3A_56 = tpu.memref_slice %arg2[%dma_start3A_54, %dma_start3A_55] : memref<2500x128xf32, #tpu.memory_space<hbm>> -> memref<20x128xf32, #tpu.memory_space<hbm>>
      tpu.enqueue_dma source(%dma_start3A_56 : memref<20x128xf32, #tpu.memory_space<hbm>>) target(%dma_start3A_53 : memref<20x128xf32, #tpu.memory_space<vmem>>) target_semaphore(%arg11 : memref<!tpu.dma_semaphore, #tpu.memory_space<semaphore_mem>>)
      %dma_start3A_57 = arith.constant 0 : i32
      %dma_start3A_58 = arith.constant 0 : i32
      %dma_start3A_59 = tpu.memref_slice %arg7[%dma_start3A_57, %dma_start3A_58] : memref<80x128xi32, #tpu.memory_space<vmem>> -> memref<20x128xi32, #tpu.memory_space<vmem>>
      %dma_start3A_60 = arith.constant 2480 : i32
      %dma_start3A_61 = arith.constant 0 : i32
      %dma_start3A_62 = tpu.memref_slice %arg3[%dma_start3A_60, %dma_start3A_61] : memref<2500x128xi32, #tpu.memory_space<hbm>> -> memref<20x128xi32, #tpu.memory_space<hbm>>
      %dma_start3A_63 = arith.constant 0 : i32
      %dma_start3A_64 = arith.constant 0 : i32
      %dma_start3A_65 = tpu.memref_slice %arg7[%dma_start3A_63, %dma_start3A_64] : memref<80x128xi32, #tpu.memory_space<vmem>> -> memref<20x128xi32, #tpu.memory_space<vmem>>
      %dma_start3A_66 = arith.constant 2480 : i32
      %dma_start3A_67 = arith.constant 0 : i32
      %dma_start3A_68 = tpu.memref_slice %arg3[%dma_start3A_66, %dma_start3A_67] : memref<2500x128xi32, #tpu.memory_space<hbm>> -> memref<20x128xi32, #tpu.memory_space<hbm>>
      tpu.enqueue_dma source(%dma_start3A_68 : memref<20x128xi32, #tpu.memory_space<hbm>>) target(%dma_start3A_65 : memref<20x128xi32, #tpu.memory_space<vmem>>) target_semaphore(%arg11 : memref<!tpu.dma_semaphore, #tpu.memory_space<semaphore_mem>>)
    } else {
    }
    "tpu.region"() ({
      %run_scoped3A = tpu.sem_alloc : memref<!tpu.dma_semaphore, #tpu.memory_space<semaphore_mem>>
      tpu.enqueue_dma source(%arg4 : memref<2x10016xf32, #tpu.memory_space<hbm>>) target(%arg9 : memref<2x10016xf32, #tpu.memory_space<vmem>>) target_semaphore(%run_scoped3A : memref<!tpu.dma_semaphore, #tpu.memory_space<semaphore_mem>>)
      tpu.wait_dma2 semaphore(%run_scoped3A : memref<!tpu.dma_semaphore, #tpu.memory_space<semaphore_mem>>) src(%arg4 : memref<2x10016xf32, #tpu.memory_space<hbm>>) dst(%arg9 : memref<2x10016xf32, #tpu.memory_space<vmem>>)
      tpu.yield
    }) : () -> ()
    %lt3A_12 = arith.constant 31 : i32
    %lt3A_13 = arith.cmpi slt, %add3A, %lt3A_12 : i32
    %convert_element_type3A_14 = arith.extui %lt3A_13 : i1 to i32
    %cond3A_15 = arith.constant 0 : i32
    %cond3A_16 = arith.cmpi ne, %convert_element_type3A_14, %cond3A_15 : i32
    scf.if %cond3A_16 {
      %dma_wait3A = arith.constant 0 : i32
      %dma_wait3A_46 = tpu.memref_slice %arg2[%mul3A_2, %dma_wait3A] : memref<2500x128xf32, #tpu.memory_space<hbm>> -> memref<80x128xf32, #tpu.memory_space<hbm>>
      %dma_wait3A_47 = arith.constant 0 : i32
      %dma_wait3A_48 = tpu.memref_slice %arg2[%mul3A_2, %dma_wait3A_47] : memref<2500x128xf32, #tpu.memory_space<hbm>> -> memref<80x128xf32, #tpu.memory_space<hbm>>
      tpu.wait_dma2 semaphore(%arg11 : memref<!tpu.dma_semaphore, #tpu.memory_space<semaphore_mem>>) src(%dma_wait3A_48 : memref<80x128xf32, #tpu.memory_space<hbm>>) dst(%arg6 : memref<80x128xf32, #tpu.memory_space<vmem>>)
      %dma_wait3A_49 = arith.constant 0 : i32
      %dma_wait3A_50 = tpu.memref_slice %arg3[%mul3A_2, %dma_wait3A_49] : memref<2500x128xi32, #tpu.memory_space<hbm>> -> memref<80x128xi32, #tpu.memory_space<hbm>>
      %dma_wait3A_51 = arith.constant 0 : i32
      %dma_wait3A_52 = tpu.memref_slice %arg3[%mul3A_2, %dma_wait3A_51] : memref<2500x128xi32, #tpu.memory_space<hbm>> -> memref<80x128xi32, #tpu.memory_space<hbm>>
      tpu.wait_dma2 semaphore(%arg11 : memref<!tpu.dma_semaphore, #tpu.memory_space<semaphore_mem>>) src(%dma_wait3A_52 : memref<80x128xi32, #tpu.memory_space<hbm>>) dst(%arg7 : memref<80x128xi32, #tpu.memory_space<vmem>>)
    } else {
    }
    %eq3A_17 = arith.constant 31 : i32
    %eq3A_18 = arith.cmpi eq, %add3A, %eq3A_17 : i32
    %convert_element_type3A_19 = arith.extui %eq3A_18 : i1 to i32
    %cond3A_20 = arith.constant 0 : i32
    %cond3A_21 = arith.cmpi ne, %convert_element_type3A_19, %cond3A_20 : i32
    scf.if %cond3A_21 {
      %dma_wait3A = arith.constant 0 : i32
      %dma_wait3A_46 = arith.constant 0 : i32
      %dma_wait3A_47 = tpu.memref_slice %arg6[%dma_wait3A, %dma_wait3A_46] : memref<80x128xf32, #tpu.memory_space<vmem>> -> memref<20x128xf32, #tpu.memory_space<vmem>>
      %dma_wait3A_48 = arith.constant 2480 : i32
      %dma_wait3A_49 = arith.constant 0 : i32
      %dma_wait3A_50 = tpu.memref_slice %arg2[%dma_wait3A_48, %dma_wait3A_49] : memref<2500x128xf32, #tpu.memory_space<hbm>> -> memref<20x128xf32, #tpu.memory_space<hbm>>
      %dma_wait3A_51 = arith.constant 0 : i32
      %dma_wait3A_52 = arith.constant 0 : i32
      %dma_wait3A_53 = tpu.memref_slice %arg6[%dma_wait3A_51, %dma_wait3A_52] : memref<80x128xf32, #tpu.memory_space<vmem>> -> memref<20x128xf32, #tpu.memory_space<vmem>>
      %dma_wait3A_54 = arith.constant 2480 : i32
      %dma_wait3A_55 = arith.constant 0 : i32
      %dma_wait3A_56 = tpu.memref_slice %arg2[%dma_wait3A_54, %dma_wait3A_55] : memref<2500x128xf32, #tpu.memory_space<hbm>> -> memref<20x128xf32, #tpu.memory_space<hbm>>
      tpu.wait_dma2 semaphore(%arg11 : memref<!tpu.dma_semaphore, #tpu.memory_space<semaphore_mem>>) src(%dma_wait3A_56 : memref<20x128xf32, #tpu.memory_space<hbm>>) dst(%dma_wait3A_53 : memref<20x128xf32, #tpu.memory_space<vmem>>)
      %dma_wait3A_57 = arith.constant 0 : i32
      %dma_wait3A_58 = arith.constant 0 : i32
      %dma_wait3A_59 = tpu.memref_slice %arg7[%dma_wait3A_57, %dma_wait3A_58] : memref<80x128xi32, #tpu.memory_space<vmem>> -> memref<20x128xi32, #tpu.memory_space<vmem>>
      %dma_wait3A_60 = arith.constant 2480 : i32
      %dma_wait3A_61 = arith.constant 0 : i32
      %dma_wait3A_62 = tpu.memref_slice %arg3[%dma_wait3A_60, %dma_wait3A_61] : memref<2500x128xi32, #tpu.memory_space<hbm>> -> memref<20x128xi32, #tpu.memory_space<hbm>>
      %dma_wait3A_63 = arith.constant 0 : i32
      %dma_wait3A_64 = arith.constant 0 : i32
      %dma_wait3A_65 = tpu.memref_slice %arg7[%dma_wait3A_63, %dma_wait3A_64] : memref<80x128xi32, #tpu.memory_space<vmem>> -> memref<20x128xi32, #tpu.memory_space<vmem>>
      %dma_wait3A_66 = arith.constant 2480 : i32
      %dma_wait3A_67 = arith.constant 0 : i32
      %dma_wait3A_68 = tpu.memref_slice %arg3[%dma_wait3A_66, %dma_wait3A_67] : memref<2500x128xi32, #tpu.memory_space<hbm>> -> memref<20x128xi32, #tpu.memory_space<hbm>>
      tpu.wait_dma2 semaphore(%arg11 : memref<!tpu.dma_semaphore, #tpu.memory_space<semaphore_mem>>) src(%dma_wait3A_68 : memref<20x128xi32, #tpu.memory_space<hbm>>) dst(%dma_wait3A_65 : memref<20x128xi32, #tpu.memory_space<vmem>>)
    } else {
    }
    %scan3A = arith.constant 0 : i32
    %scan3A_22 = arith.constant 0 : i32
    %scan3A_23 = arith.constant 626 : i32
    %scan3A_24 = arith.addi %scan3A_22, %scan3A_23 : i32
    %scan3A_25 = arith.constant 1 : i32
    scf.for %scan3A_46 = %scan3A_22 to %scan3A_24 step %scan3A_25  : i32 {
      %mul3A_47 = arith.constant 16 : i32
      %mul3A_48 = arith.muli %scan3A_46, %mul3A_47 : i32
      %get3A = arith.constant 0 : i32
      %get3A_49 = arith.index_cast %get3A : i32 to index
      %get3A_50 = arith.index_cast %mul3A_48 : i32 to index
      %get3A_51 = tpu.vector_load %arg9[%get3A_49, %get3A_50] {strides = array<i32>} : memref<2x10016xf32, #tpu.memory_space<vmem>>, vector<16xf32>,
      %get3A_52 = arith.constant 1 : i32
      %get3A_53 = arith.index_cast %get3A_52 : i32 to index
      %get3A_54 = arith.index_cast %mul3A_48 : i32 to index
      %get3A_55 = tpu.vector_load %arg9[%get3A_53, %get3A_54] {strides = array<i32>} : memref<2x10016xf32, #tpu.memory_space<vmem>>, vector<16xf32>,
      %add3A_56 = arith.addf %get3A_51, %get3A_55 : vector<16xf32>
      %swap3A = arith.index_cast %mul3A_48 : i32 to index
      %swap3A_57 = tpu.vector_load %arg10[%swap3A] {strides = array<i32>} : memref<10016xf32, #tpu.memory_space<vmem>>, vector<16xf32>,
      tpu.vector_store %arg10[%swap3A], %add3A_56 {strides = array<i32>} : memref<10016xf32, #tpu.memory_space<vmem>>, vector<16xf32>,
    }
    %scan3A_26 = arith.constant 626 : i32
    %while3A = arith.constant 0 : i32
    %while3A_27 = arith.constant 0 : i32
    %while3A_28 = arith.subi %select_n3A, %while3A_27 : i32
    %while3A_29 = arith.addi %while3A_27, %while3A_28 : i32
    %while3A_30 = arith.constant 1 : i32
    %while3A_31 = arith.divsi %while3A_28, %while3A_30 : i32
    %while3A_32 = arith.muli %while3A_31, %while3A_30 : i32
    %while3A_33 = arith.addi %while3A_27, %while3A_32 : i32
    %while3A_34 = arith.constant 1 : i32
    scf.for %while3A_46 = %while3A_27 to %while3A_33 step %while3A_34  : i32 {
      %scan3A_47 = arith.constant 0 : i32
      %scan3A_48 = arith.constant 0 : i32
      %scan3A_49 = arith.constant 8 : i32
      %scan3A_50 = arith.addi %scan3A_48, %scan3A_49 : i32
      %scan3A_51 = arith.constant 1 : i32
      scf.for %scan3A_53 = %scan3A_48 to %scan3A_50 step %scan3A_51  : i32 {
        %mul3A_54 = arith.constant 16 : i32
        %mul3A_55 = arith.muli %scan3A_53, %mul3A_54 : i32
        %get3A = arith.index_cast %while3A_46 : i32 to index
        %get3A_56 = arith.index_cast %mul3A_55 : i32 to index
        %get3A_57 = tpu.vector_load %arg7[%get3A, %get3A_56] {strides = array<i32>} : memref<80x128xi32, #tpu.memory_space<vmem>>, vector<16xi32>,
        %gather3A = tpu.vector_load_idx %arg10[%get3A_57] : memref<10016xf32, #tpu.memory_space<vmem>>[vector<16xi32>], vector<16xf32>,
        %get3A_58 = arith.index_cast %while3A_46 : i32 to index
        %get3A_59 = arith.index_cast %mul3A_55 : i32 to index
        %get3A_60 = tpu.vector_load %arg6[%get3A_58, %get3A_59] {strides = array<i32>} : memref<80x128xf32, #tpu.memory_space<vmem>>, vector<16xf32>,
        %div3A = arith.divf %get3A_60, %gather3A : vector<16xf32>
        %swap3A = arith.index_cast %while3A_46 : i32 to index
        %swap3A_61 = arith.index_cast %mul3A_55 : i32 to index
        %swap3A_62 = tpu.vector_load %arg8[%swap3A, %swap3A_61] {strides = array<i32>} : memref<80x128xf32, #tpu.memory_space<vmem>>, vector<16xf32>,
        tpu.vector_store %arg8[%swap3A, %swap3A_61], %div3A {strides = array<i32>} : memref<80x128xf32, #tpu.memory_space<vmem>>, vector<16xf32>,
      }
      %scan3A_52 = arith.constant 8 : i32
    }
    %while3A_35 = arith.constant 1 : i32
    scf.for %while3A_46 = %while3A_33 to %while3A_29 step %while3A_35  : i32 {
      %scan3A_47 = arith.constant 0 : i32
      %scan3A_48 = arith.constant 0 : i32
      %scan3A_49 = arith.constant 8 : i32
      %scan3A_50 = arith.addi %scan3A_48, %scan3A_49 : i32
      %scan3A_51 = arith.constant 1 : i32
      scf.for %scan3A_53 = %scan3A_48 to %scan3A_50 step %scan3A_51  : i32 {
        %mul3A_54 = arith.constant 16 : i32
        %mul3A_55 = arith.muli %scan3A_53, %mul3A_54 : i32
        %get3A = arith.index_cast %while3A_46 : i32 to index
        %get3A_56 = arith.index_cast %mul3A_55 : i32 to index
        %get3A_57 = tpu.vector_load %arg7[%get3A, %get3A_56] {strides = array<i32>} : memref<80x128xi32, #tpu.memory_space<vmem>>, vector<16xi32>,
        %gather3A = tpu.vector_load_idx %arg10[%get3A_57] : memref<10016xf32, #tpu.memory_space<vmem>>[vector<16xi32>], vector<16xf32>,
        %get3A_58 = arith.index_cast %while3A_46 : i32 to index
        %get3A_59 = arith.index_cast %mul3A_55 : i32 to index
        %get3A_60 = tpu.vector_load %arg6[%get3A_58, %get3A_59] {strides = array<i32>} : memref<80x128xf32, #tpu.memory_space<vmem>>, vector<16xf32>,
        %div3A = arith.divf %get3A_60, %gather3A : vector<16xf32>
        %swap3A = arith.index_cast %while3A_46 : i32 to index
        %swap3A_61 = arith.index_cast %mul3A_55 : i32 to index
        %swap3A_62 = tpu.vector_load %arg8[%swap3A, %swap3A_61] {strides = array<i32>} : memref<80x128xf32, #tpu.memory_space<vmem>>, vector<16xf32>,
        tpu.vector_store %arg8[%swap3A, %swap3A_61], %div3A {strides = array<i32>} : memref<80x128xf32, #tpu.memory_space<vmem>>, vector<16xf32>,
      }
      %scan3A_52 = arith.constant 8 : i32
    }
    %lt3A_36 = arith.constant 31 : i32
    %lt3A_37 = arith.cmpi slt, %add3A, %lt3A_36 : i32
    %convert_element_type3A_38 = arith.extui %lt3A_37 : i1 to i32
    %cond3A_39 = arith.constant 0 : i32
    %cond3A_40 = arith.cmpi ne, %convert_element_type3A_38, %cond3A_39 : i32
    scf.if %cond3A_40 {
      "tpu.region"() ({
        %run_scoped3A = tpu.sem_alloc : memref<!tpu.dma_semaphore, #tpu.memory_space<semaphore_mem>>
        %dma_start3A = arith.constant 0 : i32
        %dma_start3A_46 = tpu.memref_slice %arg5[%mul3A_2, %dma_start3A] : memref<2500x128xf32, #tpu.memory_space<hbm>> -> memref<80x128xf32, #tpu.memory_space<hbm>>
        %dma_start3A_47 = arith.constant 0 : i32
        %dma_start3A_48 = tpu.memref_slice %arg5[%mul3A_2, %dma_start3A_47] : memref<2500x128xf32, #tpu.memory_space<hbm>> -> memref<80x128xf32, #tpu.memory_space<hbm>>
        tpu.enqueue_dma source(%arg8 : memref<80x128xf32, #tpu.memory_space<vmem>>) target(%dma_start3A_48 : memref<80x128xf32, #tpu.memory_space<hbm>>) target_semaphore(%run_scoped3A : memref<!tpu.dma_semaphore, #tpu.memory_space<semaphore_mem>>)
        %dma_wait3A = arith.constant 0 : i32
        %dma_wait3A_49 = tpu.memref_slice %arg5[%mul3A_2, %dma_wait3A] : memref<2500x128xf32, #tpu.memory_space<hbm>> -> memref<80x128xf32, #tpu.memory_space<hbm>>
        %dma_wait3A_50 = arith.constant 0 : i32
        %dma_wait3A_51 = tpu.memref_slice %arg5[%mul3A_2, %dma_wait3A_50] : memref<2500x128xf32, #tpu.memory_space<hbm>> -> memref<80x128xf32, #tpu.memory_space<hbm>>
        tpu.wait_dma2 semaphore(%run_scoped3A : memref<!tpu.dma_semaphore, #tpu.memory_space<semaphore_mem>>) src(%arg8 : memref<80x128xf32, #tpu.memory_space<vmem>>) dst(%dma_wait3A_51 : memref<80x128xf32, #tpu.memory_space<hbm>>)
        tpu.yield
      }) : () -> ()
    } else {
    }
    %eq3A_41 = arith.constant 31 : i32
    %eq3A_42 = arith.cmpi eq, %add3A, %eq3A_41 : i32
    %convert_element_type3A_43 = arith.extui %eq3A_42 : i1 to i32
    %cond3A_44 = arith.constant 0 : i32
    %cond3A_45 = arith.cmpi ne, %convert_element_type3A_43, %cond3A_44 : i32
    scf.if %cond3A_45 {
      "tpu.region"() ({
        %run_scoped3A = tpu.sem_alloc : memref<!tpu.dma_semaphore, #tpu.memory_space<semaphore_mem>>
        %dma_start3A = arith.constant 0 : i32
        %dma_start3A_46 = arith.constant 0 : i32
        %dma_start3A_47 = tpu.memref_slice %arg8[%dma_start3A, %dma_start3A_46] : memref<80x128xf32, #tpu.memory_space<vmem>> -> memref<20x128xf32, #tpu.memory_space<vmem>>
        %dma_start3A_48 = arith.constant 2480 : i32
        %dma_start3A_49 = arith.constant 0 : i32
        %dma_start3A_50 = tpu.memref_slice %arg5[%dma_start3A_48, %dma_start3A_49] : memref<2500x128xf32, #tpu.memory_space<hbm>> -> memref<20x128xf32, #tpu.memory_space<hbm>>
        %dma_start3A_51 = arith.constant 2480 : i32
        %dma_start3A_52 = arith.constant 0 : i32
        %dma_start3A_53 = tpu.memref_slice %arg5[%dma_start3A_51, %dma_start3A_52] : memref<2500x128xf32, #tpu.memory_space<hbm>> -> memref<20x128xf32, #tpu.memory_space<hbm>>
        %dma_start3A_54 = arith.constant 0 : i32
        %dma_start3A_55 = arith.constant 0 : i32
        %dma_start3A_56 = tpu.memref_slice %arg8[%dma_start3A_54, %dma_start3A_55] : memref<80x128xf32, #tpu.memory_space<vmem>> -> memref<20x128xf32, #tpu.memory_space<vmem>>
        tpu.enqueue_dma source(%dma_start3A_56 : memref<20x128xf32, #tpu.memory_space<vmem>>) target(%dma_start3A_53 : memref<20x128xf32, #tpu.memory_space<hbm>>) target_semaphore(%run_scoped3A : memref<!tpu.dma_semaphore, #tpu.memory_space<semaphore_mem>>)
        %dma_wait3A = arith.constant 0 : i32
        %dma_wait3A_57 = arith.constant 0 : i32
        %dma_wait3A_58 = tpu.memref_slice %arg8[%dma_wait3A, %dma_wait3A_57] : memref<80x128xf32, #tpu.memory_space<vmem>> -> memref<20x128xf32, #tpu.memory_space<vmem>>
        %dma_wait3A_59 = arith.constant 2480 : i32
        %dma_wait3A_60 = arith.constant 0 : i32
        %dma_wait3A_61 = tpu.memref_slice %arg5[%dma_wait3A_59, %dma_wait3A_60] : memref<2500x128xf32, #tpu.memory_space<hbm>> -> memref<20x128xf32, #tpu.memory_space<hbm>>
        %dma_wait3A_62 = arith.constant 2480 : i32
        %dma_wait3A_63 = arith.constant 0 : i32
        %dma_wait3A_64 = tpu.memref_slice %arg5[%dma_wait3A_62, %dma_wait3A_63] : memref<2500x128xf32, #tpu.memory_space<hbm>> -> memref<20x128xf32, #tpu.memory_space<hbm>>
        %dma_wait3A_65 = arith.constant 0 : i32
        %dma_wait3A_66 = arith.constant 0 : i32
        %dma_wait3A_67 = tpu.memref_slice %arg8[%dma_wait3A_65, %dma_wait3A_66] : memref<80x128xf32, #tpu.memory_space<vmem>> -> memref<20x128xf32, #tpu.memory_space<vmem>>
        tpu.wait_dma2 semaphore(%run_scoped3A : memref<!tpu.dma_semaphore, #tpu.memory_space<semaphore_mem>>) src(%dma_wait3A_67 : memref<20x128xf32, #tpu.memory_space<vmem>>) dst(%dma_wait3A_64 : memref<20x128xf32, #tpu.memory_space<hbm>>)
        tpu.yield
      }) : () -> ()
    } else {
    }
    return
  }
}

#map = affine_map<(d0, d1) -> (0, 0)>
#map1 = affine_map<(d0, d1) -> (0)>
module attributes {stable_mosaic.version = 14 : i64} {
  func.func @_sc_segsum_body(%arg0: i32, %arg1: i32, %arg2: memref<2500x128xf32, #tpu.memory_space<hbm>>, %arg3: memref<2500x128xi32, #tpu.memory_space<hbm>>, %arg4: memref<1x16xf32, #tpu.memory_space<hbm>>, %arg5: memref<10016xf32, #tpu.memory_space<hbm>>, %arg6: memref<2500x128xf32, #tpu.memory_space<hbm>>, %arg7: memref<2x10016xf32, #tpu.memory_space<hbm>>, %arg8: memref<80x128xf32, #tpu.memory_space<vmem>>, %arg9: memref<80x128xi32, #tpu.memory_space<vmem>>, %arg10: memref<80x128xf32, #tpu.memory_space<vmem>>, %arg11: memref<1x16xf32, #tpu.memory_space<vmem>>, %arg12: memref<10016xf32, #tpu.memory_space<vmem_shared>>, %arg13: memref<!tpu.dma_semaphore, #tpu.memory_space<semaphore_mem>>) attributes {dimension_semantics = [#tpu.dimension_semantics<core_parallel>, #tpu.dimension_semantics<subcore_parallel>], iteration_bounds = array<i64: 2, 16>, scalar_prefetch = 0 : i64, scratch_operands = 6 : i64, tpu.core_type = #tpu.core_type<sc_vector_subcore>, window_params = [{transform_indices = #map}, {transform_indices = #map}, {transform_indices = #map}, {transform_indices = #map1}, {transform_indices = #map}, {transform_indices = #map}]} {
    %mul3A = arith.constant 16 : i32
    %mul3A_0 = arith.muli %arg0, %mul3A : i32
    %add3A = arith.addi %mul3A_0, %arg1 : i32
    %mul3A_1 = arith.constant 80 : i32
    %mul3A_2 = arith.muli %add3A, %mul3A_1 : i32
    %eq3A = arith.constant 31 : i32
    %eq3A_3 = arith.cmpi eq, %add3A, %eq3A : i32
    %jit3A = arith.constant 20 : i32
    %jit3A_4 = arith.constant 80 : i32
    %select_n3A = arith.select %eq3A_3, %jit3A, %jit3A_4 : i32
    %lt3A = arith.constant 31 : i32
    %lt3A_5 = arith.cmpi slt, %add3A, %lt3A : i32
    %convert_element_type3A = arith.extui %lt3A_5 : i1 to i32
    %cond3A = arith.constant 0 : i32
    %cond3A_6 = arith.cmpi ne, %convert_element_type3A, %cond3A : i32
    scf.if %cond3A_6 {
      %dma_start3A = arith.constant 0 : i32
      %dma_start3A_65 = tpu.memref_slice %arg2[%mul3A_2, %dma_start3A] : memref<2500x128xf32, #tpu.memory_space<hbm>> -> memref<80x128xf32, #tpu.memory_space<hbm>>
      %dma_start3A_66 = arith.constant 0 : i32
      %dma_start3A_67 = tpu.memref_slice %arg2[%mul3A_2, %dma_start3A_66] : memref<2500x128xf32, #tpu.memory_space<hbm>> -> memref<80x128xf32, #tpu.memory_space<hbm>>
      tpu.enqueue_dma source(%dma_start3A_67 : memref<80x128xf32, #tpu.memory_space<hbm>>) target(%arg8 : memref<80x128xf32, #tpu.memory_space<vmem>>) target_semaphore(%arg13 : memref<!tpu.dma_semaphore, #tpu.memory_space<semaphore_mem>>)
      %dma_start3A_68 = arith.constant 0 : i32
      %dma_start3A_69 = tpu.memref_slice %arg3[%mul3A_2, %dma_start3A_68] : memref<2500x128xi32, #tpu.memory_space<hbm>> -> memref<80x128xi32, #tpu.memory_space<hbm>>
      %dma_start3A_70 = arith.constant 0 : i32
      %dma_start3A_71 = tpu.memref_slice %arg3[%mul3A_2, %dma_start3A_70] : memref<2500x128xi32, #tpu.memory_space<hbm>> -> memref<80x128xi32, #tpu.memory_space<hbm>>
      tpu.enqueue_dma source(%dma_start3A_71 : memref<80x128xi32, #tpu.memory_space<hbm>>) target(%arg9 : memref<80x128xi32, #tpu.memory_space<vmem>>) target_semaphore(%arg13 : memref<!tpu.dma_semaphore, #tpu.memory_space<semaphore_mem>>)
    } else {
    }
    %eq3A_7 = arith.constant 31 : i32
    %eq3A_8 = arith.cmpi eq, %add3A, %eq3A_7 : i32
    %convert_element_type3A_9 = arith.extui %eq3A_8 : i1 to i32
    %cond3A_10 = arith.constant 0 : i32
    %cond3A_11 = arith.cmpi ne, %convert_element_type3A_9, %cond3A_10 : i32
    scf.if %cond3A_11 {
      %dma_start3A = arith.constant 0 : i32
      %dma_start3A_65 = arith.constant 0 : i32
      %dma_start3A_66 = tpu.memref_slice %arg8[%dma_start3A, %dma_start3A_65] : memref<80x128xf32, #tpu.memory_space<vmem>> -> memref<20x128xf32, #tpu.memory_space<vmem>>
      %dma_start3A_67 = arith.constant 2480 : i32
      %dma_start3A_68 = arith.constant 0 : i32
      %dma_start3A_69 = tpu.memref_slice %arg2[%dma_start3A_67, %dma_start3A_68] : memref<2500x128xf32, #tpu.memory_space<hbm>> -> memref<20x128xf32, #tpu.memory_space<hbm>>
      %dma_start3A_70 = arith.constant 0 : i32
      %dma_start3A_71 = arith.constant 0 : i32
      %dma_start3A_72 = tpu.memref_slice %arg8[%dma_start3A_70, %dma_start3A_71] : memref<80x128xf32, #tpu.memory_space<vmem>> -> memref<20x128xf32, #tpu.memory_space<vmem>>
      %dma_start3A_73 = arith.constant 2480 : i32
      %dma_start3A_74 = arith.constant 0 : i32
      %dma_start3A_75 = tpu.memref_slice %arg2[%dma_start3A_73, %dma_start3A_74] : memref<2500x128xf32, #tpu.memory_space<hbm>> -> memref<20x128xf32, #tpu.memory_space<hbm>>
      tpu.enqueue_dma source(%dma_start3A_75 : memref<20x128xf32, #tpu.memory_space<hbm>>) target(%dma_start3A_72 : memref<20x128xf32, #tpu.memory_space<vmem>>) target_semaphore(%arg13 : memref<!tpu.dma_semaphore, #tpu.memory_space<semaphore_mem>>)
      %dma_start3A_76 = arith.constant 0 : i32
      %dma_start3A_77 = arith.constant 0 : i32
      %dma_start3A_78 = tpu.memref_slice %arg9[%dma_start3A_76, %dma_start3A_77] : memref<80x128xi32, #tpu.memory_space<vmem>> -> memref<20x128xi32, #tpu.memory_space<vmem>>
      %dma_start3A_79 = arith.constant 2480 : i32
      %dma_start3A_80 = arith.constant 0 : i32
      %dma_start3A_81 = tpu.memref_slice %arg3[%dma_start3A_79, %dma_start3A_80] : memref<2500x128xi32, #tpu.memory_space<hbm>> -> memref<20x128xi32, #tpu.memory_space<hbm>>
      %dma_start3A_82 = arith.constant 0 : i32
      %dma_start3A_83 = arith.constant 0 : i32
      %dma_start3A_84 = tpu.memref_slice %arg9[%dma_start3A_82, %dma_start3A_83] : memref<80x128xi32, #tpu.memory_space<vmem>> -> memref<20x128xi32, #tpu.memory_space<vmem>>
      %dma_start3A_85 = arith.constant 2480 : i32
      %dma_start3A_86 = arith.constant 0 : i32
      %dma_start3A_87 = tpu.memref_slice %arg3[%dma_start3A_85, %dma_start3A_86] : memref<2500x128xi32, #tpu.memory_space<hbm>> -> memref<20x128xi32, #tpu.memory_space<hbm>>
      tpu.enqueue_dma source(%dma_start3A_87 : memref<20x128xi32, #tpu.memory_space<hbm>>) target(%dma_start3A_84 : memref<20x128xi32, #tpu.memory_space<vmem>>) target_semaphore(%arg13 : memref<!tpu.dma_semaphore, #tpu.memory_space<semaphore_mem>>)
    } else {
    }
    "tpu.region"() ({
      %run_scoped3A = tpu.sem_alloc : memref<!tpu.dma_semaphore, #tpu.memory_space<semaphore_mem>>
      tpu.enqueue_dma source(%arg4 : memref<1x16xf32, #tpu.memory_space<hbm>>) target(%arg11 : memref<1x16xf32, #tpu.memory_space<vmem>>) target_semaphore(%run_scoped3A : memref<!tpu.dma_semaphore, #tpu.memory_space<semaphore_mem>>)
      tpu.wait_dma2 semaphore(%run_scoped3A : memref<!tpu.dma_semaphore, #tpu.memory_space<semaphore_mem>>) src(%arg4 : memref<1x16xf32, #tpu.memory_space<hbm>>) dst(%arg11 : memref<1x16xf32, #tpu.memory_space<vmem>>)
      tpu.yield
    }) : () -> ()
    %get3A = arith.constant 0 : i32
    %get3A_12 = arith.index_cast %get3A : i32 to index
    %get3A_13 = arith.constant 0 : index
    %get3A_14 = tpu.vector_load %arg11[%get3A_12, %get3A_13] {strides = array<i32>} : memref<1x16xf32, #tpu.memory_space<vmem>>, vector<16xf32>,
    %lt3A_15 = arith.constant 31 : i32
    %lt3A_16 = arith.cmpi slt, %add3A, %lt3A_15 : i32
    %convert_element_type3A_17 = arith.extui %lt3A_16 : i1 to i32
    %cond3A_18 = arith.constant 0 : i32
    %cond3A_19 = arith.cmpi ne, %convert_element_type3A_17, %cond3A_18 : i32
    scf.if %cond3A_19 {
      %dma_wait3A = arith.constant 0 : i32
      %dma_wait3A_65 = tpu.memref_slice %arg2[%mul3A_2, %dma_wait3A] : memref<2500x128xf32, #tpu.memory_space<hbm>> -> memref<80x128xf32, #tpu.memory_space<hbm>>
      %dma_wait3A_66 = arith.constant 0 : i32
      %dma_wait3A_67 = tpu.memref_slice %arg2[%mul3A_2, %dma_wait3A_66] : memref<2500x128xf32, #tpu.memory_space<hbm>> -> memref<80x128xf32, #tpu.memory_space<hbm>>
      tpu.wait_dma2 semaphore(%arg13 : memref<!tpu.dma_semaphore, #tpu.memory_space<semaphore_mem>>) src(%dma_wait3A_67 : memref<80x128xf32, #tpu.memory_space<hbm>>) dst(%arg8 : memref<80x128xf32, #tpu.memory_space<vmem>>)
      %dma_wait3A_68 = arith.constant 0 : i32
      %dma_wait3A_69 = tpu.memref_slice %arg3[%mul3A_2, %dma_wait3A_68] : memref<2500x128xi32, #tpu.memory_space<hbm>> -> memref<80x128xi32, #tpu.memory_space<hbm>>
      %dma_wait3A_70 = arith.constant 0 : i32
      %dma_wait3A_71 = tpu.memref_slice %arg3[%mul3A_2, %dma_wait3A_70] : memref<2500x128xi32, #tpu.memory_space<hbm>> -> memref<80x128xi32, #tpu.memory_space<hbm>>
      tpu.wait_dma2 semaphore(%arg13 : memref<!tpu.dma_semaphore, #tpu.memory_space<semaphore_mem>>) src(%dma_wait3A_71 : memref<80x128xi32, #tpu.memory_space<hbm>>) dst(%arg9 : memref<80x128xi32, #tpu.memory_space<vmem>>)
    } else {
    }
    %eq3A_20 = arith.constant 31 : i32
    %eq3A_21 = arith.cmpi eq, %add3A, %eq3A_20 : i32
    %convert_element_type3A_22 = arith.extui %eq3A_21 : i1 to i32
    %cond3A_23 = arith.constant 0 : i32
    %cond3A_24 = arith.cmpi ne, %convert_element_type3A_22, %cond3A_23 : i32
    scf.if %cond3A_24 {
      %dma_wait3A = arith.constant 0 : i32
      %dma_wait3A_65 = arith.constant 0 : i32
      %dma_wait3A_66 = tpu.memref_slice %arg8[%dma_wait3A, %dma_wait3A_65] : memref<80x128xf32, #tpu.memory_space<vmem>> -> memref<20x128xf32, #tpu.memory_space<vmem>>
      %dma_wait3A_67 = arith.constant 2480 : i32
      %dma_wait3A_68 = arith.constant 0 : i32
      %dma_wait3A_69 = tpu.memref_slice %arg2[%dma_wait3A_67, %dma_wait3A_68] : memref<2500x128xf32, #tpu.memory_space<hbm>> -> memref<20x128xf32, #tpu.memory_space<hbm>>
      %dma_wait3A_70 = arith.constant 0 : i32
      %dma_wait3A_71 = arith.constant 0 : i32
      %dma_wait3A_72 = tpu.memref_slice %arg8[%dma_wait3A_70, %dma_wait3A_71] : memref<80x128xf32, #tpu.memory_space<vmem>> -> memref<20x128xf32, #tpu.memory_space<vmem>>
      %dma_wait3A_73 = arith.constant 2480 : i32
      %dma_wait3A_74 = arith.constant 0 : i32
      %dma_wait3A_75 = tpu.memref_slice %arg2[%dma_wait3A_73, %dma_wait3A_74] : memref<2500x128xf32, #tpu.memory_space<hbm>> -> memref<20x128xf32, #tpu.memory_space<hbm>>
      tpu.wait_dma2 semaphore(%arg13 : memref<!tpu.dma_semaphore, #tpu.memory_space<semaphore_mem>>) src(%dma_wait3A_75 : memref<20x128xf32, #tpu.memory_space<hbm>>) dst(%dma_wait3A_72 : memref<20x128xf32, #tpu.memory_space<vmem>>)
      %dma_wait3A_76 = arith.constant 0 : i32
      %dma_wait3A_77 = arith.constant 0 : i32
      %dma_wait3A_78 = tpu.memref_slice %arg9[%dma_wait3A_76, %dma_wait3A_77] : memref<80x128xi32, #tpu.memory_space<vmem>> -> memref<20x128xi32, #tpu.memory_space<vmem>>
      %dma_wait3A_79 = arith.constant 2480 : i32
      %dma_wait3A_80 = arith.constant 0 : i32
      %dma_wait3A_81 = tpu.memref_slice %arg3[%dma_wait3A_79, %dma_wait3A_80] : memref<2500x128xi32, #tpu.memory_space<hbm>> -> memref<20x128xi32, #tpu.memory_space<hbm>>
      %dma_wait3A_82 = arith.constant 0 : i32
      %dma_wait3A_83 = arith.constant 0 : i32
      %dma_wait3A_84 = tpu.memref_slice %arg9[%dma_wait3A_82, %dma_wait3A_83] : memref<80x128xi32, #tpu.memory_space<vmem>> -> memref<20x128xi32, #tpu.memory_space<vmem>>
      %dma_wait3A_85 = arith.constant 2480 : i32
      %dma_wait3A_86 = arith.constant 0 : i32
      %dma_wait3A_87 = tpu.memref_slice %arg3[%dma_wait3A_85, %dma_wait3A_86] : memref<2500x128xi32, #tpu.memory_space<hbm>> -> memref<20x128xi32, #tpu.memory_space<hbm>>
      tpu.wait_dma2 semaphore(%arg13 : memref<!tpu.dma_semaphore, #tpu.memory_space<semaphore_mem>>) src(%dma_wait3A_87 : memref<20x128xi32, #tpu.memory_space<hbm>>) dst(%dma_wait3A_84 : memref<20x128xi32, #tpu.memory_space<vmem>>)
    } else {
    }
    %while3A = arith.constant 0 : i32
    %while3A_25 = arith.constant 0 : i32
    %while3A_26 = arith.subi %select_n3A, %while3A_25 : i32
    %while3A_27 = arith.addi %while3A_25, %while3A_26 : i32
    %while3A_28 = arith.constant 1 : i32
    %while3A_29 = arith.divsi %while3A_26, %while3A_28 : i32
    %while3A_30 = arith.muli %while3A_29, %while3A_28 : i32
    %while3A_31 = arith.addi %while3A_25, %while3A_30 : i32
    %while3A_32 = arith.constant 1 : i32
    scf.for %while3A_65 = %while3A_25 to %while3A_31 step %while3A_32  : i32 {
      %scan3A = arith.constant 0 : i32
      %scan3A_66 = arith.constant 0 : i32
      %scan3A_67 = arith.constant 8 : i32
      %scan3A_68 = arith.addi %scan3A_66, %scan3A_67 : i32
      %scan3A_69 = arith.constant 1 : i32
      scf.for %scan3A_71 = %scan3A_66 to %scan3A_68 step %scan3A_69  : i32 {
        %mul3A_72 = arith.constant 16 : i32
        %mul3A_73 = arith.muli %scan3A_71, %mul3A_72 : i32
        %get3A_74 = arith.index_cast %while3A_65 : i32 to index
        %get3A_75 = arith.index_cast %mul3A_73 : i32 to index
        %get3A_76 = tpu.vector_load %arg8[%get3A_74, %get3A_75] {strides = array<i32>} : memref<80x128xf32, #tpu.memory_space<vmem>>, vector<16xf32>,
        %sub3A = arith.subf %get3A_76, %get3A_14 : vector<16xf32>
        %exp3A = math.exp %sub3A : vector<16xf32>
        %swap3A = arith.index_cast %while3A_65 : i32 to index
        %swap3A_77 = arith.index_cast %mul3A_73 : i32 to index
        %swap3A_78 = tpu.vector_load %arg10[%swap3A, %swap3A_77] {strides = array<i32>} : memref<80x128xf32, #tpu.memory_space<vmem>>, vector<16xf32>,
        tpu.vector_store %arg10[%swap3A, %swap3A_77], %exp3A {strides = array<i32>} : memref<80x128xf32, #tpu.memory_space<vmem>>, vector<16xf32>,
      }
      %scan3A_70 = arith.constant 8 : i32
    }
    %while3A_33 = arith.constant 1 : i32
    scf.for %while3A_65 = %while3A_31 to %while3A_27 step %while3A_33  : i32 {
      %scan3A = arith.constant 0 : i32
      %scan3A_66 = arith.constant 0 : i32
      %scan3A_67 = arith.constant 8 : i32
      %scan3A_68 = arith.addi %scan3A_66, %scan3A_67 : i32
      %scan3A_69 = arith.constant 1 : i32
      scf.for %scan3A_71 = %scan3A_66 to %scan3A_68 step %scan3A_69  : i32 {
        %mul3A_72 = arith.constant 16 : i32
        %mul3A_73 = arith.muli %scan3A_71, %mul3A_72 : i32
        %get3A_74 = arith.index_cast %while3A_65 : i32 to index
        %get3A_75 = arith.index_cast %mul3A_73 : i32 to index
        %get3A_76 = tpu.vector_load %arg8[%get3A_74, %get3A_75] {strides = array<i32>} : memref<80x128xf32, #tpu.memory_space<vmem>>, vector<16xf32>,
        %sub3A = arith.subf %get3A_76, %get3A_14 : vector<16xf32>
        %exp3A = math.exp %sub3A : vector<16xf32>
        %swap3A = arith.index_cast %while3A_65 : i32 to index
        %swap3A_77 = arith.index_cast %mul3A_73 : i32 to index
        %swap3A_78 = tpu.vector_load %arg10[%swap3A, %swap3A_77] {strides = array<i32>} : memref<80x128xf32, #tpu.memory_space<vmem>>, vector<16xf32>,
        tpu.vector_store %arg10[%swap3A, %swap3A_77], %exp3A {strides = array<i32>} : memref<80x128xf32, #tpu.memory_space<vmem>>, vector<16xf32>,
      }
      %scan3A_70 = arith.constant 8 : i32
    }
    %lt3A_34 = arith.constant 31 : i32
    %lt3A_35 = arith.cmpi slt, %add3A, %lt3A_34 : i32
    %convert_element_type3A_36 = arith.extui %lt3A_35 : i1 to i32
    %cond3A_37 = arith.constant 0 : i32
    %cond3A_38 = arith.cmpi ne, %convert_element_type3A_36, %cond3A_37 : i32
    scf.if %cond3A_38 {
      "tpu.region"() ({
        %run_scoped3A = tpu.sem_alloc : memref<!tpu.dma_semaphore, #tpu.memory_space<semaphore_mem>>
        %dma_start3A = arith.constant 0 : i32
        %dma_start3A_65 = tpu.memref_slice %arg6[%mul3A_2, %dma_start3A] : memref<2500x128xf32, #tpu.memory_space<hbm>> -> memref<80x128xf32, #tpu.memory_space<hbm>>
        %dma_start3A_66 = arith.constant 0 : i32
        %dma_start3A_67 = tpu.memref_slice %arg6[%mul3A_2, %dma_start3A_66] : memref<2500x128xf32, #tpu.memory_space<hbm>> -> memref<80x128xf32, #tpu.memory_space<hbm>>
        tpu.enqueue_dma source(%arg10 : memref<80x128xf32, #tpu.memory_space<vmem>>) target(%dma_start3A_67 : memref<80x128xf32, #tpu.memory_space<hbm>>) target_semaphore(%run_scoped3A : memref<!tpu.dma_semaphore, #tpu.memory_space<semaphore_mem>>)
        %dma_wait3A = arith.constant 0 : i32
        %dma_wait3A_68 = tpu.memref_slice %arg6[%mul3A_2, %dma_wait3A] : memref<2500x128xf32, #tpu.memory_space<hbm>> -> memref<80x128xf32, #tpu.memory_space<hbm>>
        %dma_wait3A_69 = arith.constant 0 : i32
        %dma_wait3A_70 = tpu.memref_slice %arg6[%mul3A_2, %dma_wait3A_69] : memref<2500x128xf32, #tpu.memory_space<hbm>> -> memref<80x128xf32, #tpu.memory_space<hbm>>
        tpu.wait_dma2 semaphore(%run_scoped3A : memref<!tpu.dma_semaphore, #tpu.memory_space<semaphore_mem>>) src(%arg10 : memref<80x128xf32, #tpu.memory_space<vmem>>) dst(%dma_wait3A_70 : memref<80x128xf32, #tpu.memory_space<hbm>>)
        tpu.yield
      }) : () -> ()
    } else {
    }
    %eq3A_39 = arith.constant 31 : i32
    %eq3A_40 = arith.cmpi eq, %add3A, %eq3A_39 : i32
    %convert_element_type3A_41 = arith.extui %eq3A_40 : i1 to i32
    %cond3A_42 = arith.constant 0 : i32
    %cond3A_43 = arith.cmpi ne, %convert_element_type3A_41, %cond3A_42 : i32
    scf.if %cond3A_43 {
      "tpu.region"() ({
        %run_scoped3A = tpu.sem_alloc : memref<!tpu.dma_semaphore, #tpu.memory_space<semaphore_mem>>
        %dma_start3A = arith.constant 0 : i32
        %dma_start3A_65 = arith.constant 0 : i32
        %dma_start3A_66 = tpu.memref_slice %arg10[%dma_start3A, %dma_start3A_65] : memref<80x128xf32, #tpu.memory_space<vmem>> -> memref<20x128xf32, #tpu.memory_space<vmem>>
        %dma_start3A_67 = arith.constant 2480 : i32
        %dma_start3A_68 = arith.constant 0 : i32
        %dma_start3A_69 = tpu.memref_slice %arg6[%dma_start3A_67, %dma_start3A_68] : memref<2500x128xf32, #tpu.memory_space<hbm>> -> memref<20x128xf32, #tpu.memory_space<hbm>>
        %dma_start3A_70 = arith.constant 2480 : i32
        %dma_start3A_71 = arith.constant 0 : i32
        %dma_start3A_72 = tpu.memref_slice %arg6[%dma_start3A_70, %dma_start3A_71] : memref<2500x128xf32, #tpu.memory_space<hbm>> -> memref<20x128xf32, #tpu.memory_space<hbm>>
        %dma_start3A_73 = arith.constant 0 : i32
        %dma_start3A_74 = arith.constant 0 : i32
        %dma_start3A_75 = tpu.memref_slice %arg10[%dma_start3A_73, %dma_start3A_74] : memref<80x128xf32, #tpu.memory_space<vmem>> -> memref<20x128xf32, #tpu.memory_space<vmem>>
        tpu.enqueue_dma source(%dma_start3A_75 : memref<20x128xf32, #tpu.memory_space<vmem>>) target(%dma_start3A_72 : memref<20x128xf32, #tpu.memory_space<hbm>>) target_semaphore(%run_scoped3A : memref<!tpu.dma_semaphore, #tpu.memory_space<semaphore_mem>>)
        %dma_wait3A = arith.constant 0 : i32
        %dma_wait3A_76 = arith.constant 0 : i32
        %dma_wait3A_77 = tpu.memref_slice %arg10[%dma_wait3A, %dma_wait3A_76] : memref<80x128xf32, #tpu.memory_space<vmem>> -> memref<20x128xf32, #tpu.memory_space<vmem>>
        %dma_wait3A_78 = arith.constant 2480 : i32
        %dma_wait3A_79 = arith.constant 0 : i32
        %dma_wait3A_80 = tpu.memref_slice %arg6[%dma_wait3A_78, %dma_wait3A_79] : memref<2500x128xf32, #tpu.memory_space<hbm>> -> memref<20x128xf32, #tpu.memory_space<hbm>>
        %dma_wait3A_81 = arith.constant 2480 : i32
        %dma_wait3A_82 = arith.constant 0 : i32
        %dma_wait3A_83 = tpu.memref_slice %arg6[%dma_wait3A_81, %dma_wait3A_82] : memref<2500x128xf32, #tpu.memory_space<hbm>> -> memref<20x128xf32, #tpu.memory_space<hbm>>
        %dma_wait3A_84 = arith.constant 0 : i32
        %dma_wait3A_85 = arith.constant 0 : i32
        %dma_wait3A_86 = tpu.memref_slice %arg10[%dma_wait3A_84, %dma_wait3A_85] : memref<80x128xf32, #tpu.memory_space<vmem>> -> memref<20x128xf32, #tpu.memory_space<vmem>>
        tpu.wait_dma2 semaphore(%run_scoped3A : memref<!tpu.dma_semaphore, #tpu.memory_space<semaphore_mem>>) src(%dma_wait3A_86 : memref<20x128xf32, #tpu.memory_space<vmem>>) dst(%dma_wait3A_83 : memref<20x128xf32, #tpu.memory_space<hbm>>)
        tpu.yield
      }) : () -> ()
    } else {
    }
    %eq3A_44 = arith.constant 0 : i32
    %eq3A_45 = arith.cmpi eq, %arg1, %eq3A_44 : i32
    %convert_element_type3A_46 = arith.extui %eq3A_45 : i1 to i32
    %cond3A_47 = arith.constant 0 : i32
    %cond3A_48 = arith.cmpi ne, %convert_element_type3A_46, %cond3A_47 : i32
    scf.if %cond3A_48 {
      "tpu.region"() ({
        %run_scoped3A = tpu.sem_alloc : memref<!tpu.dma_semaphore, #tpu.memory_space<semaphore_mem>>
        tpu.enqueue_dma source(%arg5 : memref<10016xf32, #tpu.memory_space<hbm>>) target(%arg12 : memref<10016xf32, #tpu.memory_space<vmem_shared>>) target_semaphore(%run_scoped3A : memref<!tpu.dma_semaphore, #tpu.memory_space<semaphore_mem>>)
        tpu.wait_dma2 semaphore(%run_scoped3A : memref<!tpu.dma_semaphore, #tpu.memory_space<semaphore_mem>>) src(%arg5 : memref<10016xf32, #tpu.memory_space<hbm>>) dst(%arg12 : memref<10016xf32, #tpu.memory_space<vmem_shared>>)
        tpu.yield
      }) : () -> ()
    } else {
    }
    %barrier3A = arith.constant 0 : index
    tpu.barrier barrier_id(%barrier3A)
    %while3A_49 = arith.constant 0 : i32
    %while3A_50 = arith.constant 0 : i32
    %while3A_51 = arith.subi %select_n3A, %while3A_50 : i32
    %while3A_52 = arith.addi %while3A_50, %while3A_51 : i32
    %while3A_53 = arith.constant 1 : i32
    %while3A_54 = arith.divsi %while3A_51, %while3A_53 : i32
    %while3A_55 = arith.muli %while3A_54, %while3A_53 : i32
    %while3A_56 = arith.addi %while3A_50, %while3A_55 : i32
    %while3A_57 = arith.constant 1 : i32
    scf.for %while3A_65 = %while3A_50 to %while3A_56 step %while3A_57  : i32 {
      "tpu.region"() ({
        %run_scoped3A = tpu.sem_alloc : memref<!tpu.dma_semaphore, #tpu.memory_space<semaphore_mem>>
        %dma_start3A = arith.constant 0 : i32
        %dma_start3A_66 = tpu.memref_slice %arg10[%while3A_65, %dma_start3A] : memref<80x128xf32, #tpu.memory_space<vmem>> -> memref<1x128xf32, #tpu.memory_space<vmem>>
        %dma_start3A_67 = tpu.memref_squeeze %dma_start3A_66 : memref<1x128xf32, #tpu.memory_space<vmem>> -> memref<128xf32, #tpu.memory_space<vmem>>
        %dma_start3A_68 = arith.constant 0 : i32
        %dma_start3A_69 = tpu.memref_slice %arg9[%while3A_65, %dma_start3A_68] : memref<80x128xi32, #tpu.memory_space<vmem>> -> memref<1x128xi32, #tpu.memory_space<vmem>>
        %dma_start3A_70 = tpu.memref_squeeze %dma_start3A_69 : memref<1x128xi32, #tpu.memory_space<vmem>> -> memref<128xi32, #tpu.memory_space<vmem>>
        %dma_start3A_71 = arith.constant 0 : i32
        %dma_start3A_72 = tpu.memref_slice %arg12[%dma_start3A_71] : memref<10016xf32, #tpu.memory_space<vmem_shared>> -> memref<10016xf32, #tpu.memory_space<vmem_shared>>
        tpu.enqueue_indirect_dma source(%dma_start3A_67 : memref<128xf32, #tpu.memory_space<vmem>>) target(%dma_start3A_72 : memref<10016xf32, #tpu.memory_space<vmem_shared>>) offsets(%dma_start3A_70 : memref<128xi32, #tpu.memory_space<vmem>>) semaphore(%run_scoped3A : memref<!tpu.dma_semaphore, #tpu.memory_space<semaphore_mem>>) {add = true}
        %dma_wait3A = arith.constant 0 : i32
        %dma_wait3A_73 = tpu.memref_slice %arg10[%while3A_65, %dma_wait3A] : memref<80x128xf32, #tpu.memory_space<vmem>> -> memref<1x128xf32, #tpu.memory_space<vmem>>
        %dma_wait3A_74 = tpu.memref_squeeze %dma_wait3A_73 : memref<1x128xf32, #tpu.memory_space<vmem>> -> memref<128xf32, #tpu.memory_space<vmem>>
        %dma_wait3A_75 = arith.constant 0 : i32
        %dma_wait3A_76 = tpu.memref_slice %arg9[%while3A_65, %dma_wait3A_75] : memref<80x128xi32, #tpu.memory_space<vmem>> -> memref<1x128xi32, #tpu.memory_space<vmem>>
        %dma_wait3A_77 = tpu.memref_squeeze %dma_wait3A_76 : memref<1x128xi32, #tpu.memory_space<vmem>> -> memref<128xi32, #tpu.memory_space<vmem>>
        %dma_wait3A_78 = arith.constant 0 : i32
        %dma_wait3A_79 = tpu.memref_slice %arg12[%dma_wait3A_78] : memref<10016xf32, #tpu.memory_space<vmem_shared>> -> memref<10016xf32, #tpu.memory_space<vmem_shared>>
        tpu.wait_indirect_dma semaphore(%run_scoped3A : memref<!tpu.dma_semaphore, #tpu.memory_space<semaphore_mem>>) src(%dma_wait3A_74 : memref<128xf32, #tpu.memory_space<vmem>>) dst(%dma_wait3A_79 : memref<10016xf32, #tpu.memory_space<vmem_shared>>)
        tpu.yield
      }) : () -> ()
    }
    %while3A_58 = arith.constant 1 : i32
    scf.for %while3A_65 = %while3A_56 to %while3A_52 step %while3A_58  : i32 {
      "tpu.region"() ({
        %run_scoped3A = tpu.sem_alloc : memref<!tpu.dma_semaphore, #tpu.memory_space<semaphore_mem>>
        %dma_start3A = arith.constant 0 : i32
        %dma_start3A_66 = tpu.memref_slice %arg10[%while3A_65, %dma_start3A] : memref<80x128xf32, #tpu.memory_space<vmem>> -> memref<1x128xf32, #tpu.memory_space<vmem>>
        %dma_start3A_67 = tpu.memref_squeeze %dma_start3A_66 : memref<1x128xf32, #tpu.memory_space<vmem>> -> memref<128xf32, #tpu.memory_space<vmem>>
        %dma_start3A_68 = arith.constant 0 : i32
        %dma_start3A_69 = tpu.memref_slice %arg9[%while3A_65, %dma_start3A_68] : memref<80x128xi32, #tpu.memory_space<vmem>> -> memref<1x128xi32, #tpu.memory_space<vmem>>
        %dma_start3A_70 = tpu.memref_squeeze %dma_start3A_69 : memref<1x128xi32, #tpu.memory_space<vmem>> -> memref<128xi32, #tpu.memory_space<vmem>>
        %dma_start3A_71 = arith.constant 0 : i32
        %dma_start3A_72 = tpu.memref_slice %arg12[%dma_start3A_71] : memref<10016xf32, #tpu.memory_space<vmem_shared>> -> memref<10016xf32, #tpu.memory_space<vmem_shared>>
        tpu.enqueue_indirect_dma source(%dma_start3A_67 : memref<128xf32, #tpu.memory_space<vmem>>) target(%dma_start3A_72 : memref<10016xf32, #tpu.memory_space<vmem_shared>>) offsets(%dma_start3A_70 : memref<128xi32, #tpu.memory_space<vmem>>) semaphore(%run_scoped3A : memref<!tpu.dma_semaphore, #tpu.memory_space<semaphore_mem>>) {add = true}
        %dma_wait3A = arith.constant 0 : i32
        %dma_wait3A_73 = tpu.memref_slice %arg10[%while3A_65, %dma_wait3A] : memref<80x128xf32, #tpu.memory_space<vmem>> -> memref<1x128xf32, #tpu.memory_space<vmem>>
        %dma_wait3A_74 = tpu.memref_squeeze %dma_wait3A_73 : memref<1x128xf32, #tpu.memory_space<vmem>> -> memref<128xf32, #tpu.memory_space<vmem>>
        %dma_wait3A_75 = arith.constant 0 : i32
        %dma_wait3A_76 = tpu.memref_slice %arg9[%while3A_65, %dma_wait3A_75] : memref<80x128xi32, #tpu.memory_space<vmem>> -> memref<1x128xi32, #tpu.memory_space<vmem>>
        %dma_wait3A_77 = tpu.memref_squeeze %dma_wait3A_76 : memref<1x128xi32, #tpu.memory_space<vmem>> -> memref<128xi32, #tpu.memory_space<vmem>>
        %dma_wait3A_78 = arith.constant 0 : i32
        %dma_wait3A_79 = tpu.memref_slice %arg12[%dma_wait3A_78] : memref<10016xf32, #tpu.memory_space<vmem_shared>> -> memref<10016xf32, #tpu.memory_space<vmem_shared>>
        tpu.wait_indirect_dma semaphore(%run_scoped3A : memref<!tpu.dma_semaphore, #tpu.memory_space<semaphore_mem>>) src(%dma_wait3A_74 : memref<128xf32, #tpu.memory_space<vmem>>) dst(%dma_wait3A_79 : memref<10016xf32, #tpu.memory_space<vmem_shared>>)
        tpu.yield
      }) : () -> ()
    }
    %barrier3A_59 = arith.constant 0 : index
    tpu.barrier barrier_id(%barrier3A_59)
    %eq3A_60 = arith.constant 0 : i32
    %eq3A_61 = arith.cmpi eq, %arg1, %eq3A_60 : i32
    %convert_element_type3A_62 = arith.extui %eq3A_61 : i1 to i32
    %cond3A_63 = arith.constant 0 : i32
    %cond3A_64 = arith.cmpi ne, %convert_element_type3A_62, %cond3A_63 : i32
    scf.if %cond3A_64 {
      "tpu.region"() ({
        %run_scoped3A = tpu.sem_alloc : memref<!tpu.dma_semaphore, #tpu.memory_space<semaphore_mem>>
        %dma_start3A = arith.constant 0 : i32
        %dma_start3A_65 = tpu.memref_slice %arg7[%arg0, %dma_start3A] : memref<2x10016xf32, #tpu.memory_space<hbm>> -> memref<1x10016xf32, #tpu.memory_space<hbm>>
        %dma_start3A_66 = tpu.memref_squeeze %dma_start3A_65 : memref<1x10016xf32, #tpu.memory_space<hbm>> -> memref<10016xf32, #tpu.memory_space<hbm>>
        tpu.enqueue_dma source(%arg12 : memref<10016xf32, #tpu.memory_space<vmem_shared>>) target(%dma_start3A_66 : memref<10016xf32, #tpu.memory_space<hbm>>) target_semaphore(%run_scoped3A : memref<!tpu.dma_semaphore, #tpu.memory_space<semaphore_mem>>)
        %dma_wait3A = arith.constant 0 : i32
        %dma_wait3A_67 = tpu.memref_slice %arg7[%arg0, %dma_wait3A] : memref<2x10016xf32, #tpu.memory_space<hbm>> -> memref<1x10016xf32, #tpu.memory_space<hbm>>
        %dma_wait3A_68 = tpu.memref_squeeze %dma_wait3A_67 : memref<1x10016xf32, #tpu.memory_space<hbm>> -> memref<10016xf32, #tpu.memory_space<hbm>>
        tpu.wait_dma2 semaphore(%run_scoped3A : memref<!tpu.dma_semaphore, #tpu.memory_space<semaphore_mem>>) src(%arg12 : memref<10016xf32, #tpu.memory_space<vmem_shared>>) dst(%dma_wait3A_68 : memref<10016xf32, #tpu.memory_space<hbm>>)
        tpu.yield
      }) : () -> ()
    } else {
    }
    return
  }
}

module attributes {stable_mosaic.version = 14 : i64} {
  func.func @_scores_body(%arg0: i32, %arg1: memref<12800x128xf32, #tpu.memory_space<vmem>>, %arg2: memref<12800x128xf32, #tpu.memory_space<vmem>>, %arg3: memref<1x100x128xf32, #tpu.memory_space<vmem>>, %arg4: memref<1x16xf32, #tpu.memory_space<vmem>>) attributes {dimension_semantics = [#tpu.dimension_semantics<arbitrary>], iteration_bounds = array<i64: 25>, scalar_prefetch = 0 : i64, scratch_operands = 0 : i64, tpu.core_type = #tpu.core_type<tc>, window_params = [{transform_indices = @transform_0, window_bounds = array<i64: 12800, 128>}, {transform_indices = @transform_1, window_bounds = array<i64: 12800, 128>}, {transform_indices = @transform_2, window_bounds = array<i64: 1, 100, 128>}, {pipeline_mode = #tpu.pipeline_mode<synchronous>, transform_indices = @transform_3, window_bounds = array<i64: 1, 16>}]} {
    %get3A = arith.constant 0 : index
    %get3A_0 = arith.constant 0 : index
    %get3A_1 = vector.load %arg1[%get3A, %get3A_0] : memref<12800x128xf32, #tpu.memory_space<vmem>>, vector<12800x128xf32>
    %get3A_2 = arith.constant 0 : index
    %get3A_3 = arith.constant 0 : index
    %get3A_4 = vector.load %arg2[%get3A_2, %get3A_3] : memref<12800x128xf32, #tpu.memory_space<vmem>>, vector<12800x128xf32>
    %mul3A = arith.mulf %get3A_1, %get3A_4 : vector<12800x128xf32>
    %reduce_sum3A = arith.constant dense<0.000000e+00> : vector<12800xf32>
    %reduce_sum3A_5 = vector.multi_reduction <add>, %mul3A, %reduce_sum3A [1] : vector<12800x128xf32> to vector<12800xf32>
    %reshape3A = vector.shape_cast %reduce_sum3A_5 : vector<12800xf32> to vector<100x128xf32>
    %mul3A_6 = arith.constant 0.0883883461 : f32
    %mul3A_7 = vector.broadcast %mul3A_6 : f32 to vector<100x128xf32>
    %mul3A_8 = arith.mulf %reshape3A, %mul3A_7 : vector<100x128xf32>
    %reshape3A_9 = vector.shape_cast %mul3A_8 : vector<100x128xf32> to vector<1x100x128xf32>
    %swap3A = arith.constant 0 : index
    %swap3A_10 = arith.constant 0 : index
    %swap3A_11 = arith.constant 0 : index
    %swap3A_12 = vector.load %arg3[%swap3A, %swap3A_10, %swap3A_11] : memref<1x100x128xf32, #tpu.memory_space<vmem>>, vector<1x100x128xf32>
    tpu.vector_store %arg3[%swap3A, %swap3A_10, %swap3A_11], %reshape3A_9 {strides = array<i32>} : memref<1x100x128xf32, #tpu.memory_space<vmem>>, vector<1x100x128xf32>,
    %reduce_max3A = vector.shape_cast %mul3A_8 : vector<100x128xf32> to vector<1x100x128xf32>
    %reduce_max3A_13 = arith.constant dense<0xFF800000> : vector<1xf32>
    %reduce_max3A_14 = vector.multi_reduction <maximumf>, %reduce_max3A, %reduce_max3A_13 [1, 2] : vector<1x100x128xf32> to vector<1xf32>
    %reduce_max3A_15 = vector.shape_cast %reduce_max3A_14 : vector<1xf32> to vector<1x1x1xf32>
    %reduce_max3A_16 = vector.extract %reduce_max3A_15[0, 0, 0] : f32 from vector<1x1x1xf32>
    %broadcast_in_dim3A = vector.broadcast %reduce_max3A_16 : f32 to vector<1x1xf32>
    %broadcast_in_dim3A_17 = vector.shape_cast %broadcast_in_dim3A : vector<1x1xf32> to vector<1x1xf32>
    %broadcast_in_dim3A_18 = vector.broadcast %broadcast_in_dim3A_17 : vector<1x1xf32> to vector<1x16xf32>
    %eq3A = arith.constant 0 : i32
    %eq3A_19 = arith.cmpi eq, %arg0, %eq3A : i32
    %convert_element_type3A = arith.extui %eq3A_19 : i1 to i32
    %cond3A = arith.constant 0 : i32
    %cond3A_20 = arith.cmpi ne, %convert_element_type3A, %cond3A : i32
    scf.if %cond3A_20 {
      %swap3A_25 = arith.constant 0 : index
      %swap3A_26 = arith.constant 0 : index
      %swap3A_27 = vector.load %arg4[%swap3A_25, %swap3A_26] : memref<1x16xf32, #tpu.memory_space<vmem>>, vector<1x16xf32>
      tpu.vector_store %arg4[%swap3A_25, %swap3A_26], %broadcast_in_dim3A_18 {strides = array<i32>} : memref<1x16xf32, #tpu.memory_space<vmem>>, vector<1x16xf32>,
    } else {
    }
    %gt3A = arith.constant 0 : i32
    %gt3A_21 = arith.cmpi sgt, %arg0, %gt3A : i32
    %convert_element_type3A_22 = arith.extui %gt3A_21 : i1 to i32
    %cond3A_23 = arith.constant 0 : i32
    %cond3A_24 = arith.cmpi ne, %convert_element_type3A_22, %cond3A_23 : i32
    scf.if %cond3A_24 {
      %get3A_25 = arith.constant 0 : index
      %get3A_26 = arith.constant 0 : index
      %get3A_27 = vector.load %arg4[%get3A_25, %get3A_26] : memref<1x16xf32, #tpu.memory_space<vmem>>, vector<1x16xf32>
      %max3A = arith.maximumf %get3A_27, %broadcast_in_dim3A_18 : vector<1x16xf32>
      %swap3A_28 = arith.constant 0 : index
      %swap3A_29 = arith.constant 0 : index
      %swap3A_30 = vector.load %arg4[%swap3A_28, %swap3A_29] : memref<1x16xf32, #tpu.memory_space<vmem>>, vector<1x16xf32>
      tpu.vector_store %arg4[%swap3A_28, %swap3A_29], %max3A {strides = array<i32>} : memref<1x16xf32, #tpu.memory_space<vmem>>, vector<1x16xf32>,
    } else {
    }
    return
  }
  func.func @transform_0(%arg0: i32) -> (i32, i32) {
    %c0_i32 = arith.constant 0 : i32
    %c0_i32_0 = arith.constant 0 : i32
    return %arg0, %c0_i32 : i32, i32
  }
  func.func @transform_1(%arg0: i32) -> (i32, i32) {
    %c0_i32 = arith.constant 0 : i32
    %c0_i32_0 = arith.constant 0 : i32
    return %arg0, %c0_i32 : i32, i32
  }
  func.func @transform_2(%arg0: i32) -> (i32, i32, i32) {
    %c0_i32 = arith.constant 0 : i32
    %c0_i32_0 = arith.constant 0 : i32
    %c0_i32_1 = arith.constant 0 : i32
    return %arg0, %c0_i32, %c0_i32_0 : i32, i32, i32
  }
  func.func @transform_3(%arg0: i32) -> (i32, i32) {
    %c0_i32 = arith.constant 0 : i32
    %c0_i32_0 = arith.constant 0 : i32
    %c0_i32_1 = arith.constant 0 : i32
    return %c0_i32, %c0_i32_0 : i32, i32
  }
}

</mosaic_0001>

<sc_bundles>
// kernel: kernel.5.cloned.1.call-start
scs
__scs_entry_jumppad:
0x0: {  	(pc) =	sbr.rel $0x88, $3  }
0x1: {  	(tag) =	ssettag $0x0;
	lr =	simm.s32 $0x1  }
0x2: {  	[smem:$0x3F9E] =	sst lr;
	_ =	strace $0xD0000000  }
0x3: {  	_ = 	snop  }
0x4: {  	_ = 	snop  }
0x5: {  	_ = 	snop  }
0x6: {  	_ = 	snop  }
0x7: {  	_ = 	snop  }
__scs_overlays_trampoline_lowered:
0x8: {  	[smem:$0x3FAD] =	sst s0  }
0x9: {  	[smem:$0x3FAE] =	sst s1  }
0xa: {  	[smem:$0x3FAF] =	sst s2  }
0xb: {  	[smem:$0x3FB0] =	sst s3  }
0xc: {  	[smem:$0x3FB1] =	sst s4  }
0xd: {  	[smem:$0x3FB2] =	sst s5  }
0xe: {  	[smem:$0x3FB3] =	sst s6  }
0xf: {  	[smem:$0x3FB4] =	sst s7  }
0x10: {  	[smem:$0x3FB5] =	sst s8  }
0x11: {  	[smem:$0x3FB6] =	sst s9;
	s0 =	simm.s32 @!p0 $0x0  }
0x12: {  	s1 =	sld [smem:$0x3F9C];
	s0 =	simm.s32 @p0 $0x1  }
0x13: {  	[smem:$0x3FB7] =	sst s0;
	s0 =	simm.s32 @!p1 $0x0  }
0x14: {  	s2 =	sld [smem:$0x3F9B];
	s0 =	simm.s32 @p1 $0x1  }
0x15: {  	[smem:$0x3FB8] =	sst s0;
	s0 =	simm.s32 @!p2 $0x0  }
0x16: {  	s3 =	sld [smem:$0x3FDB];
	s0 =	simm.s32 @p2 $0x1  }
0x17: {  	s4 =	simm.s32 $0x1BF5;
	[smem:$0x3FBA] =	sst s0  }
0x18: {  	s0 =	sld [smem:$0x3F9D];
	_ =	swait.ge [sflag:s4], $0x0  }
0x19: {  	s7 =	sld [smem:$0x3F9E]  }
0x1a: {  	s8 =	sadd.s32 $0xFFFFE003, lr  }
0x1b: {  	s9 =	sadd.s32 $0xFFFFFEF7, lr;
	s5 =	simm.s32 $0xFFFFFFFF;
	p2 =	slt.u32 s8, $0xFFFFF086  }
0x1c: {  	p1 =	slt.u32 s9, $0xF7A;
	s5 =	simm.s32 @!p2 $0x0  }
0x1d: {  	s5 =	simm.s32 @p1 $0x1;
	p0 =	seq.s32 s7, s2  }
0x1e: {  	s7 =	smul.u32 @!p0 $0xF7A, s2;
	p2 =	seq.s32 @!p0 s5, $0x0  }
0x1f: {  	s9 =	smul.u32 $0xF7A, s1;
	s8 =	simm.s32 @!p0 $0x1BF5;
	p2 =	por !p2, p0  }
0x20: {  	[sflag:s8] =	ssyncset.s32 @!p0 $0xFFFFF086;
	s6 =	sadd.s32 @!p0 s3, s7;
	s7 =	simm.s32 @!p0 $0x108  }
0x21: {  	s3 =	sadd.s32 s3, s9;
	s6 =	sadd.s32 @!p0 $0x88, s6;
	s7 =	simm.s32 @p2 $0x1082  }
0x22: {  	[simem:s7], [sflag:s8] =	dma.local @!p0 [hbm:s6], $0xF7A  }
0x23: {  	s9 =	sor.u32 $0xD0000000, s2;
	s6 =	simm.s32 $0x108;
	_ =	swait.ge @!p0 [sflag:s8], $0x0  }
0x24: {  	s3 =	sadd.s32 $0x88, s3;
	s6 =	simm.s32 @!p1 $0x1082;
	[sflag:s4] =	ssyncset.s32 $0xFFFFF086  }
0x25: {  	[simem:s6], [sflag:s4] =	dma.local [hbm:s3], $0xF7A  }
0x26: {  	[smem:$0x3F9E] =	sst s1;
	(tag) =	ssettag s2;
	_ =	strace s9  }
0x27: {  	s1 =	sld [smem:$0x3FAE]  }
0x28: {  	s2 =	sld [smem:$0x3FAF]  }
0x29: {  	s4 =	sld [smem:$0x3FB1]  }
0x2a: {  	p0 =	seq.s32 s5, $0x0;
	s5 =	sld [smem:$0x3FB2]  }
0x2b: {  	s6 =	sld [smem:$0x3FB3]  }
0x2c: {  	s7 =	sld [smem:$0x3FB4]  }
0x2d: {  	s3 =	simm.s32 $0x108;
	s8 =	sld [smem:$0x3FB5]  }
0x2e: {  	s3 =	simm.s32 @!p0 $0x1082;
	s9 =	sld [smem:$0x3FB6]  }
0x2f: {  	lr =	sadd.s32 s0, s3;
	s0 =	sld [smem:$0x3FAD]  }
0x30: {  	s3 =	sld [smem:$0x3FB0]  }
0x31: {  	[smem:$0x3FB9] =	sst s10  }
0x32: {  	s10 =	sld [smem:$0x3FB7];
	_ =	sdelay $0x3  }
0x33: {  	p0 =	seq.s32 s10, $0x1;
	s10 =	sld [smem:$0x3FB9];
	_ =	sdelay $0x3  }
0x34: {  	[smem:$0x3FB9] =	sst s10  }
0x35: {  	s10 =	sld [smem:$0x3FB8];
	_ =	sdelay $0x3  }
0x36: {  	p1 =	seq.s32 s10, $0x1;
	s10 =	sld [smem:$0x3FB9];
	_ =	sdelay $0x3  }
0x37: {  	[smem:$0x3FB9] =	sst s10  }
0x38: {  	s10 =	sld [smem:$0x3FBA]  }
0x39: {  	_ = 	snop;
	(pc) =	sbr.ind lr, $3  }
0x3a: {  	_ = 	snop  }
0x3b: {  	_ = 	snop  }
0x3c: {  	p2 =	seq.s32 s10, $0x1;
	s10 =	sld [smem:$0x3FB9]  }
0x3d: {  	_ =	shalt  }
0x3e: {  	_ =	shalt  }
0x3f: {  	_ =	shalt  }
0x40: {  	_ =	shalt  }
0x41: {  	_ =	shalt  }
0x42: {  	_ =	shalt  }
0x43: {  	_ =	shalt  }
0x44: {  	_ =	shalt  }
0x45: {  	_ =	shalt  }
0x46: {  	_ =	shalt  }
0x47: {  	_ =	shalt  }
0x48: {  	_ =	shalt  }
0x49: {  	_ =	shalt  }
0x4a: {  	_ =	shalt  }
0x4b: {  	_ =	shalt  }
0x4c: {  	_ =	shalt  }
0x4d: {  	_ =	shalt  }
0x4e: {  	_ =	shalt  }
0x4f: {  	_ =	shalt  }
0x50: {  	_ =	shalt  }
0x51: {  	_ =	shalt  }
0x52: {  	_ =	shalt  }
0x53: {  	_ =	shalt  }
0x54: {  	_ =	shalt  }
0x55: {  	_ =	shalt  }
0x56: {  	_ =	shalt  }
0x57: {  	_ =	shalt  }
0x58: {  	_ =	shalt  }
0x59: {  	_ =	shalt  }
0x5a: {  	_ =	shalt  }
0x5b: {  	_ =	shalt  }
0x5c: {  	_ =	shalt  }
0x5d: {  	_ =	shalt  }
0x5e: {  	_ =	shalt  }
0x5f: {  	_ =	shalt  }
0x60: {  	_ =	shalt  }
0x61: {  	_ =	shalt  }
0x62: {  	_ =	shalt  }
0x63: {  	_ =	shalt  }
0x64: {  	_ =	shalt  }
0x65: {  	_ =	shalt  }
0x66: {  	_ =	shalt  }
0x67: {  	_ =	shalt  }
0x68: {  	_ =	shalt  }
0x69: {  	_ =	shalt  }
0x6a: {  	_ =	shalt  }
0x6b: {  	_ =	shalt  }
0x6c: {  	_ =	shalt  }
0x6d: {  	_ =	shalt  }
0x6e: {  	_ =	shalt  }
0x6f: {  	_ =	shalt  }
0x70: {  	_ =	shalt  }
0x71: {  	_ =	shalt  }
0x72: {  	_ =	shalt  }
0x73: {  	_ =	shalt  }
0x74: {  	_ =	shalt  }
0x75: {  	_ =	shalt  }
0x76: {  	_ =	shalt  }
0x77: {  	_ =	shalt  }
0x78: {  	_ =	shalt  }
0x79: {  	_ =	shalt  }
0x7a: {  	_ =	shalt  }
0x7b: {  	_ =	shalt  }
0x7c: {  	_ =	shalt  }
0x7d: {  	_ =	shalt  }
0x7e: {  	_ =	shalt  }
0x7f: {  	_ =	shalt  }
0x80: {  	_ =	shalt  }
0x81: {  	_ =	shalt  }
0x82: {  	_ =	shalt  }
0x83: {  	_ =	shalt  }
0x84: {  	_ =	shalt  }
0x85: {  	_ =	shalt  }
0x86: {  	_ =	shalt  }
0x87: {  	_ =	shalt  }
.Lfunc_end0:
.L_simem_size_0:
called_computation_lowered:
.L_overlay_start_0:
0x88: {  	s2 =	sld [smem:$0x3FD9]  }
0x89: {  	s3 =	sld [smem:$0x3FFE];
	_ =	sdelay $0x1  }
0x8a: {  	s1 =	srdreg.scid  }
0x8b: {  	s0 =	sand.u32 $0x1, s1  }
0x8c: {  	s17 =	sshll.u32 s0, $0xA;
	s2 =	sadd.s32 s3, s2  }
0x8d: {  	s2 =	sadd.s32 s2, s17  }
0x8e: {  	[smem:$0x3FC5] =	sst s2  }
0x8f: {  	_ = 	snop  }
0x90: {  	s2 =	sld [smem:$0x3FC7]  }
0x91: {  	s18 =	sld [smem:$0x3FD0];
	(tm) =	ssettm $0x1  }
0x92: {  	s4 =	sld [smem:$0x3FFB];
	_ =	sdelay $0x3  }
0x93: {  	_ =	strace s4  }
0x94: {  	s4 =	sld [smem:$0x3FFC];
	_ =	sdelay $0x3  }
0x95: {  	_ =	strace s4  }
0x96: {  	s4 =	sld [smem:$0x3FFD];
	_ =	sdelay $0x3  }
0x97: {  	_ =	strace s4  }
0x98: {  	_ =	strace $0x8FFFFFFF  }
0x99: {  	s19 =	sld [smem:$0x3FDB];
	_ =	sdelay $0x1  }
0x9a: {  	s5 =	simm.s32 $_scs_section_size  }
0x9b: {  	s6 =	simm.s32 $_size__tile_overlayer_lowered;
	s7 =	simm.s32 $_tile_overlayer_lowered  }
0x9c: {  	s22 =	simm.s32 $0x1BFF;
	s21 =	sshll.u32 s7, $0x1;
	s4 =	sadd.s32 s5, s19  }
0x9d: {  	s8 =	simm.s32 $0x0;
	s20 =	sshll.u32 s6, $0x1;
	s6 =	sadd.s32 s21, s4  }
0x9e: {  	[timem:s8], [sflag:s22] =	dma.local [hbm:s6], s20  }
0x9f: {  	_ =	swait.ge [sflag:s22], s20  }
0xa0: {  	s5 =	ssub.s32 $0x0, s20;
	[sflag:s22] =	ssyncset.done $0x0  }
0xa1: {  	[sflag:s22] =	ssyncadd.s32 s5;
	_ =	sdelay $0x1  }
0xa2: {  	s23 =	simm.s32 $0x1B8B  }
0xa3: {  	_ =	swait.ge [sflag:s23], $0x1  }
0xa4: {  	[sflag:s23] =	ssyncset.done $0x0  }
0xa5: {  	s25 =	simm.s32 $0x1B8E;
	s24 =	sld [smem:$0x3FFE];
	[sflag:s23] =	ssyncadd.s32 $0xFFFFFFFF  }
0xa6: {  	s26 =	simm.s32 $execute0_lowered;
	[smem:$0x3FD2] =	sst s25  }
0xa7: {  	s6 =	sshll.u32 s26, $0x1;
	_ =	strace $0x80000046;
	[dreg:$0x1] =	wrdreg $0xFFFFFFFF  }
0xa8: {  	s28 =	simm.s32 $_size_execute0_lowered;
	s4 =	sadd.s32 s4, s6;
	[dreg:$0x0] =	wrdreg $0x0  }
0xa9: {  	s6 =	sshll.u32 s28, $0x1;
	[dreg:$0x2] =	wrdreg s4  }
0xaa: {  	[dreg:$0x3] =	wrdreg s6  }
0xab: {  	[dreg:$0x4] =	wrdreg $0xC0  }
0xac: {  	_ =	task [dreg:s8], $0x5FFFF  }
0xad: {  	[dreg:$0x1] =	wrdreg $0xFFFFFFFF  }
0xae: {  	[dreg:$0x0] =	wrdreg $0x60  }
0xaf: {  	[dreg:$0x2] =	wrdreg s18  }
0xb0: {  	[dreg:$0x3] =	wrdreg s2  }
0xb1: {  	[dreg:$0x4] =	wrdreg s24  }
0xb2: {  	[dreg:$0x5] =	wrdreg $0x78800  }
0xb3: {  	[dreg:$0x6] =	wrdreg $0x9  }
0xb4: {  	_ =	task.clear_ibuf [dreg:s8], $0x7FFFF;
	_ =	strace $0x90000046  }
0xb5: {  	s29 =	simm.s32 $0x9;
	_ =	strace $0x80000048  }
0xb6: {  	_ =	swait.ge [sflag:s29], $0x1  }
0xb7: {  	[sflag:s29] =	ssyncadd.s32 $0xFFFFFFFF  }
0xb8: {  	_ =	strace $0x90000048  }
0xb9: {  	_ =	sfence  }
0xba: {  	s30 =	sld [smem:$0x0];
	_ =	sdelay $0x2  }
0xbb: {  	s31 =	sshll.u32 s1, $0xD;
	s1 =	sshrl.u32 s1, $0x2  }
0xbc: {  	s3 =	sand.u32 $0x4000, s31;
	s1 =	sadd.s32 s1, s30  }
0xbd: {  	s0 =	sor.u32 s3, s0;
	s1 =	sshll.u32 s1, $0x11  }
0xbe: {  	s0 =	sor.u32 s1, s0  }
0xbf: {  	s0 =	sadd.s32 $0x8F2B, s0  }
0xc0: {  	[sflag:s0] =	ssyncadd.remote.s32 $0x1  }
0xc1: {  	_ =	sfence.sel $0xFFFF  }
0xc2: {  	[dreg:$0x0] =	wrdreg $0xFFFFFFFF;
	(pc) =	sbr.abs _section_cstart, $3  }
0xc3: {  	[dreg:$0x1] =	wrdreg $0xFFFFFFFF  }
0xc4: {  	_ =	task.clear_ibuf [dreg:s8], $0x2FFFF;
	_ =	strace $0x9FFFFFFF  }
0xc5: {  	(tm) =	ssettm $0x7FFFFFFF  }
tec
execute0_lowered:
.L_overlay_start_1:
0x0: {  	(tag) =	ssettag $0x1  }
0x1: {  	s8 =	rddreg [dreg:$0x0]  }
0x2: {  	s9 =	rddreg [dreg:$0x1]  }
0x3: {  	s0 =	srdreg.scid;
	s11 =	rddreg [dreg:$0x2]  }
0x4: {  	s1 =	rddreg [dreg:$0x3];
	s16 =	stileid.u32;
	s2 =	simm.s32 $0x0  }
0x5: {  	s15 =	simm.s32 $0x2;
	s5 =	sand.u32 $0x1, s0;
	s0 =	rddreg [dreg:$0x4]  }
0x6: {  	s17 =	simm.s32 $0x0;
	[smem:$0x7FF] =	sst s2;
	s3 =	sadd.s32 $0x1000, s11  }
0x7: {  	s4 =	sadd.s32 $0x1200, s11;
	p1 =	sne.s32 s16, $0x0;
	s6 =	sshll.u32 s5, $0x4  }
0x8: {  	_ =	strace $0x80000047;
	s31 =	ssub.s32 $0x2, s5;
	s7 =	sor.u32 s16, s6  }
0x9: {  	s5 =	simm.s32 $0x14;
	s13 =	sadd.s32 s6, s11;
	s10 =	smul.u32 $0x500, s7  }
0xa: {  	s14 =	sshrl.u32 s31, $0x1;
	s16 =	simm.s32 $0x80;
	p0 =	seq.s32 s7, $0x1F  }
0xb: {  	s14 =	ssub.s32 s31, s14;
	s5 =	simm.s32 @!p0 $0x50;
	s12 =	sadd.s32 s10, s11  }
0xc: {  	s6 =	sadd.s32 s8, s10;
	s7 =	sadd.s32 s9, s10;
	s8 =	sadd.s32 $0x9B00, s8  }
0xd: {  	s9 =	sadd.s32 $0x9B00, s9;
	s11 =	sadd.s32 $0xB300, s11;
	s10 =	sadd.s32 $0x1800, s12  }
0xe: {  	s12 =	sadd.s32 $0xB600, s13;
	s13 =	smax.u32 s14, $0x1;
	s14 =	simm.s32 $0x7800  }
.LBB2_1:
0xf: {  	s20 =	simm.s32 @p0 $0x0  }
0x10: {  	[tilespmem:s20], [sflag:$0x1] =	stream.linear.gather @p0 [hbm4b:s8+s20], $0xA00, $0x38;
	[tilespmem:$0x7AF8] =	vst v63  }
0x11: {  	s18 =	simm.s32 @p0 $0x2800  }
0x12: {  	[tilespmem:s18], [sflag:$0x1] =	stream.linear.gather @p0 [hbm4b:s9+s20], $0xA00, $0x38;
	[tilespmem:$0x7AF8] =	vst v63  }
0x13: {  	s19 =	simm.s32 @!p0 $0x0  }
0x14: {  	[tilespmem:s19], [sflag:$0x1] =	stream.linear.gather @!p0 [hbm4b:s6+s19], $0x2800, $0x38;
	[tilespmem:$0x7AF8] =	vst v63  }
0x15: {  	s18 =	simm.s32 @!p0 $0x2800  }
0x16: {  	[tilespmem:s18], [sflag:$0x1] =	stream.linear.gather @!p0 [hbm4b:s7+s19], $0x2800, $0x38;
	[tilespmem:$0x7AF8] =	vst v63  }
0x17: {  	_ = 	snop  }
0x18: {  	[tilespmem:s14], [sflag:$0x2] =	stream.linear.gather [hbm4b:s3+s2], $0x80, $0x38;
	[tilespmem:$0x7AF8] =	vst v63  }
0x19: {  	_ =	swait.ge [sflag:s15], $0x80  }
0x1a: {  	[sflag:s15] =	ssyncset.done $0x0  }
0x1b: {  	s18 =	simm.s32 @p0 $0x1;
	[sflag:s15] =	ssyncadd.s32 $0xFFFFFF80  }
0x1c: {  	v0 =	vld [tilespmem:$0x7800];
	_ =	swait.ge @p0 [sflag:s18], $0xA00  }
0x1d: {  	[sflag:s18] =	ssyncset.done @p0 $0x0  }
0x1e: {  	[sflag:s18] =	ssyncadd.s32 @p0 $0xFFFFF600  }
0x1f: {  	_ =	swait.ge @p0 [sflag:s18], $0xA00  }
0x20: {  	[sflag:s18] =	ssyncset.done @p0 $0x0  }
0x21: {  	[sflag:s18] =	ssyncadd.s32 @p0 $0xFFFFF600;
	s18 =	simm.s32 @!p0 $0x1  }
0x22: {  	_ =	swait.ge @!p0 [sflag:s18], $0x2800  }
0x23: {  	p2 =	sne.s32 s5, $0x1;
	[sflag:s18] =	ssyncset.done @!p0 $0x0  }
.Ltmp0:
0x24: {  	[sflag:s18] =	ssyncadd.s32 @!p0 $0xFFFFD800;
	(pc) =	sbr.rel @!p2 .LBB2_2-.Ltmp0, $4  }
0x25: {  	_ =	swait.ge @!p0 [sflag:s18], $0x2800  }
0x26: {  	[sflag:s18] =	ssyncset.done @!p0 $0x0  }
0x27: {  	s22 =	simm.s32 $0x40;
	[sflag:s18] =	ssyncadd.s32 @!p0 $0xFFFFD800  }
0x28: {  	s21 =	simm.s32 $0x5040;
	p3 =	por $0x0, $0x0;
	s18 =	sadd.s32 $0xFFFFFFFF, s5;
	v1 =	vld [tilespmem:s22+$0xFFFFFFC0]  }
0x29: {  	_ =	sdelay $0x3  }
0x2a: {  	v1 =	vsub.f32 v1, v0;
	_ =	sdelay $0x1  }
0x2b: {  	v1 =	vmul.f32 $1.442695020e+00, v1;
	_ =	sdelay $0x1  }
0x2c: {  	(erf) = vpow2.f32 v1;
	_ =	sdelay $0x8  }
0x2d: {  	v1 =	vpop (erf)  }
0x2e: {  	[tilespmem:s21+$0xFFFFFFC0] =	vst v1  }
0x2f: {  	v1 =	vld [tilespmem:s22+$0xFFFFFFD0];
	_ =	sdelay $0x4  }
0x30: {  	v1 =	vsub.f32 v1, v0;
	_ =	sdelay $0x1  }
0x31: {  	v1 =	vmul.f32 $1.442695020e+00, v1;
	_ =	sdelay $0x1  }
0x32: {  	(erf) = vpow2.f32 v1;
	_ =	sdelay $0x8  }
0x33: {  	v1 =	vpop (erf)  }
0x34: {  	[tilespmem:s21+$0xFFFFFFD0] =	vst v1  }
0x35: {  	v1 =	vld [tilespmem:s22+$0xFFFFFFE0];
	_ =	sdelay $0x4  }
0x36: {  	v1 =	vsub.f32 v1, v0;
	_ =	sdelay $0x1  }
0x37: {  	v1 =	vmul.f32 $1.442695020e+00, v1;
	_ =	sdelay $0x1  }
0x38: {  	(erf) = vpow2.f32 v1;
	_ =	sdelay $0x8  }
0x39: {  	v1 =	vpop (erf)  }
0x3a: {  	[tilespmem:s21+$0xFFFFFFE0] =	vst v1  }
0x3b: {  	v1 =	vld [tilespmem:s22+$0xFFFFFFF0];
	_ =	sdelay $0x4  }
0x3c: {  	v1 =	vsub.f32 v1, v0;
	_ =	sdelay $0x1  }
0x3d: {  	v1 =	vmul.f32 $1.442695020e+00, v1;
	_ =	sdelay $0x1  }
0x3e: {  	(erf) = vpow2.f32 v1;
	_ =	sdelay $0x8  }
0x3f: {  	v1 =	vpop (erf)  }
0x40: {  	[tilespmem:s21+$0xFFFFFFF0] =	vst v1  }
0x41: {  	v1 =	vld [tilespmem:s22+$0x0];
	_ =	sdelay $0x4  }
0x42: {  	v1 =	vsub.f32 v1, v0;
	_ =	sdelay $0x1  }
0x43: {  	v1 =	vmul.f32 $1.442695020e+00, v1;
	_ =	sdelay $0x1  }
0x44: {  	(erf) = vpow2.f32 v1;
	_ =	sdelay $0x8  }
0x45: {  	v1 =	vpop (erf)  }
0x46: {  	[tilespmem:s21+$0x0] =	vst v1  }
0x47: {  	v1 =	vld [tilespmem:s22+$0x10];
	_ =	sdelay $0x4  }
0x48: {  	v1 =	vsub.f32 v1, v0;
	_ =	sdelay $0x1  }
0x49: {  	v1 =	vmul.f32 $1.442695020e+00, v1;
	_ =	sdelay $0x1  }
0x4a: {  	(erf) = vpow2.f32 v1;
	_ =	sdelay $0x8  }
0x4b: {  	v1 =	vpop (erf)  }
0x4c: {  	[tilespmem:s21+$0x10] =	vst v1  }
0x4d: {  	v1 =	vld [tilespmem:s22+$0x20];
	_ =	sdelay $0x4  }
0x4e: {  	v1 =	vsub.f32 v1, v0;
	_ =	sdelay $0x1  }
0x4f: {  	v1 =	vmul.f32 $1.442695020e+00, v1;
	_ =	sdelay $0x1  }
0x50: {  	(erf) = vpow2.f32 v1;
	_ =	sdelay $0x8  }
0x51: {  	v1 =	vpop (erf)  }
0x52: {  	[tilespmem:s21+$0x20] =	vst v1  }
0x53: {  	v1 =	vld [tilespmem:s22+$0x30];
	_ =	sdelay $0x4  }
0x54: {  	v1 =	vsub.f32 v1, v0;
	_ =	sdelay $0x1  }
0x55: {  	v1 =	vmul.f32 $1.442695020e+00, v1;
	_ =	sdelay $0x1  }
0x56: {  	(erf) = vpow2.f32 v1;
	_ =	sdelay $0x5  }
0x57: {  	p4 =	sne.s32 s18, $0x1  }
.Ltmp1:
0x58: {  	_ = 	snop;
	(pc) =	sbr.rel @!p4 .LBB2_4-.Ltmp1, $4  }
0x59: {  	_ = 	snop  }
0x5a: {  	v1 =	vpop (erf)  }
0x5b: {  	s22 =	simm.s32 $0xC0;
	[tilespmem:s21+$0x30] =	vst v1  }
0x5c: {  	s24 =	sadd.s32 $0xFFFFFFFF, s18;
	p3 =	por $0x1, $0x1;
	s23 =	simm.s32 $0x5040;
	v1 =	vld [tilespmem:s22+$0xFFFFFFC0]  }
.LBB2_5:
0x5d: {  	p4 =	sne.s32 s24, $0x1;
	_ =	sdelay $0x3  }
0x5e: {  	v1 =	vsub.f32 v1, v0;
	_ =	sdelay $0x1  }
0x5f: {  	v1 =	vmul.f32 $1.442695020e+00, v1;
	_ =	sdelay $0x1  }
0x60: {  	(erf) = vpow2.f32 v1;
	_ =	sdelay $0x8  }
0x61: {  	s23 =	sadd.s32 $0x80, s23;
	v1 =	vpop (erf)  }
0x62: {  	[tilespmem:s23+$0xFFFFFFC0] =	vst v1  }
0x63: {  	v1 =	vld [tilespmem:s22+$0xFFFFFFD0];
	_ =	sdelay $0x4  }
0x64: {  	v1 =	vsub.f32 v1, v0;
	_ =	sdelay $0x1  }
0x65: {  	v1 =	vmul.f32 $1.442695020e+00, v1;
	_ =	sdelay $0x1  }
0x66: {  	(erf) = vpow2.f32 v1;
	_ =	sdelay $0x8  }
0x67: {  	v1 =	vpop (erf)  }
0x68: {  	[tilespmem:s23+$0xFFFFFFD0] =	vst v1  }
0x69: {  	v1 =	vld [tilespmem:s22+$0xFFFFFFE0];
	_ =	sdelay $0x4  }
0x6a: {  	v1 =	vsub.f32 v1, v0;
	_ =	sdelay $0x1  }
0x6b: {  	v1 =	vmul.f32 $1.442695020e+00, v1;
	_ =	sdelay $0x1  }
0x6c: {  	(erf) = vpow2.f32 v1;
	_ =	sdelay $0x8  }
0x6d: {  	v1 =	vpop (erf)  }
0x6e: {  	[tilespmem:s23+$0xFFFFFFE0] =	vst v1  }
0x6f: {  	v1 =	vld [tilespmem:s22+$0xFFFFFFF0];
	_ =	sdelay $0x4  }
0x70: {  	v1 =	vsub.f32 v1, v0;
	_ =	sdelay $0x1  }
0x71: {  	v1 =	vmul.f32 $1.442695020e+00, v1;
	_ =	sdelay $0x1  }
0x72: {  	(erf) = vpow2.f32 v1;
	_ =	sdelay $0x8  }
0x73: {  	v1 =	vpop (erf)  }
0x74: {  	[tilespmem:s23+$0xFFFFFFF0] =	vst v1  }
0x75: {  	v1 =	vld [tilespmem:s22+$0x0];
	_ =	sdelay $0x4  }
0x76: {  	v1 =	vsub.f32 v1, v0;
	_ =	sdelay $0x1  }
0x77: {  	v1 =	vmul.f32 $1.442695020e+00, v1;
	_ =	sdelay $0x1  }
0x78: {  	(erf) = vpow2.f32 v1;
	_ =	sdelay $0x8  }
0x79: {  	v1 =	vpop (erf)  }
0x7a: {  	[tilespmem:s23+$0x0] =	vst v1  }
0x7b: {  	v1 =	vld [tilespmem:s22+$0x10];
	_ =	sdelay $0x4  }
0x7c: {  	v1 =	vsub.f32 v1, v0;
	_ =	sdelay $0x1  }
0x7d: {  	v1 =	vmul.f32 $1.442695020e+00, v1;
	_ =	sdelay $0x1  }
0x7e: {  	(erf) = vpow2.f32 v1;
	_ =	sdelay $0x8  }
0x7f: {  	v1 =	vpop (erf)  }
0x80: {  	[tilespmem:s23+$0x10] =	vst v1  }
0x81: {  	v1 =	vld [tilespmem:s22+$0x20];
	_ =	sdelay $0x4  }
0x82: {  	v1 =	vsub.f32 v1, v0;
	_ =	sdelay $0x1  }
0x83: {  	v1 =	vmul.f32 $1.442695020e+00, v1;
	_ =	sdelay $0x1  }
0x84: {  	(erf) = vpow2.f32 v1;
	_ =	sdelay $0x8  }
0x85: {  	v1 =	vpop (erf)  }
0x86: {  	[tilespmem:s23+$0x20] =	vst v1  }
0x87: {  	v1 =	vld [tilespmem:s22+$0x30];
	_ =	sdelay $0x4  }
0x88: {  	v1 =	vsub.f32 v1, v0;
	_ =	sdelay $0x1  }
0x89: {  	v1 =	vmul.f32 $1.442695020e+00, v1;
	_ =	sdelay $0x1  }
0x8a: {  	(erf) = vpow2.f32 v1;
	_ =	sdelay $0x6  }
.Ltmp2:
0x8b: {  	(pc) =	sbr.rel @p4 .LBB2_5-.Ltmp2, $4  }
0x8c: {  	_ = 	snop  }
0x8d: {  	v1 =	vpop (erf)  }
0x8e: {  	s22 =	sadd.s32 $0x80, s22;
	[tilespmem:s23+$0x30] =	vst v1  }
0x8f: {  	s24 =	sadd.s32 $0xFFFFFFFF, s24;
	v1 =	vld [tilespmem:s22+$0xFFFFFFC0]  }
.LBB2_6:
0x90: {  	_ =	sdelay $0x3  }
0x91: {  	v1 =	vsub.f32 v1, v0;
	_ =	sdelay $0x1  }
0x92: {  	v1 =	vmul.f32 $1.442695020e+00, v1;
	_ =	sdelay $0x1  }
0x93: {  	(erf) = vpow2.f32 v1;
	_ =	sdelay $0x7  }
0x94: {  	s23 =	sadd.s32 @p3 $0x80, s23  }
0x95: {  	s21 =	smov.u32 @p3 s23;
	v1 =	vpop (erf)  }
0x96: {  	[tilespmem:s21+$0xFFFFFFC0] =	vst v1  }
0x97: {  	v1 =	vld [tilespmem:s22+$0xFFFFFFD0];
	_ =	sdelay $0x4  }
0x98: {  	v1 =	vsub.f32 v1, v0;
	_ =	sdelay $0x1  }
0x99: {  	v1 =	vmul.f32 $1.442695020e+00, v1;
	_ =	sdelay $0x1  }
0x9a: {  	(erf) = vpow2.f32 v1;
	_ =	sdelay $0x8  }
0x9b: {  	v1 =	vpop (erf)  }
0x9c: {  	[tilespmem:s21+$0xFFFFFFD0] =	vst v1  }
0x9d: {  	v1 =	vld [tilespmem:s22+$0xFFFFFFE0];
	_ =	sdelay $0x4  }
0x9e: {  	v1 =	vsub.f32 v1, v0;
	_ =	sdelay $0x1  }
0x9f: {  	v1 =	vmul.f32 $1.442695020e+00, v1;
	_ =	sdelay $0x1  }
0xa0: {  	(erf) = vpow2.f32 v1;
	_ =	sdelay $0x8  }
0xa1: {  	v1 =	vpop (erf)  }
0xa2: {  	[tilespmem:s21+$0xFFFFFFE0] =	vst v1  }
0xa3: {  	v1 =	vld [tilespmem:s22+$0xFFFFFFF0];
	_ =	sdelay $0x4  }
0xa4: {  	v1 =	vsub.f32 v1, v0;
	_ =	sdelay $0x1  }
0xa5: {  	v1 =	vmul.f32 $1.442695020e+00, v1;
	_ =	sdelay $0x1  }
0xa6: {  	(erf) = vpow2.f32 v1;
	_ =	sdelay $0x8  }
0xa7: {  	v1 =	vpop (erf)  }
0xa8: {  	[tilespmem:s21+$0xFFFFFFF0] =	vst v1  }
0xa9: {  	v1 =	vld [tilespmem:s22+$0x0];
	_ =	sdelay $0x4  }
0xaa: {  	v1 =	vsub.f32 v1, v0;
	_ =	sdelay $0x1  }
0xab: {  	v1 =	vmul.f32 $1.442695020e+00, v1;
	_ =	sdelay $0x1  }
0xac: {  	(erf) = vpow2.f32 v1;
	_ =	sdelay $0x8  }
0xad: {  	v1 =	vpop (erf)  }
0xae: {  	[tilespmem:s21+$0x0] =	vst v1  }
0xaf: {  	v1 =	vld [tilespmem:s22+$0x10];
	_ =	sdelay $0x4  }
0xb0: {  	v1 =	vsub.f32 v1, v0;
	_ =	sdelay $0x1  }
0xb1: {  	v1 =	vmul.f32 $1.442695020e+00, v1;
	_ =	sdelay $0x1  }
0xb2: {  	(erf) = vpow2.f32 v1;
	_ =	sdelay $0x8  }
0xb3: {  	v1 =	vpop (erf)  }
0xb4: {  	[tilespmem:s21+$0x10] =	vst v1  }
0xb5: {  	v1 =	vld [tilespmem:s22+$0x20];
	_ =	sdelay $0x4  }
0xb6: {  	v1 =	vsub.f32 v1, v0;
	_ =	sdelay $0x1  }
0xb7: {  	v1 =	vmul.f32 $1.442695020e+00, v1;
	_ =	sdelay $0x1  }
0xb8: {  	(erf) = vpow2.f32 v1;
	_ =	sdelay $0x8  }
0xb9: {  	v1 =	vpop (erf)  }
0xba: {  	[tilespmem:s21+$0x20] =	vst v1  }
0xbb: {  	v1 =	vld [tilespmem:s22+$0x30];
	_ =	sdelay $0x4  }
0xbc: {  	v63 =	vsub.f32 v1, v0;
	_ =	sdelay $0x1  }
0xbd: {  	v0 =	vmul.f32 $1.442695020e+00, v63;
	_ =	sdelay $0x1  }
0xbe: {  	(erf) = vpow2.f32 v0;
	_ =	sdelay $0x8  }
0xbf: {  	v0 =	vpop (erf)  }
0xc0: {  	[tilespmem:s21+$0x30] =	vst v0;
	s21 =	simm.s32 @p0 $0x5000  }
0xc1: {  	[hbm4b:s11+s20] =	stream.linear.scatter @p0 [tilespmem:s21], [sflag:$0x2], $0xA00, $0x38;
	[tilespmem:$0x7AF8] =	vst v63  }
0xc2: {  	s20 =	simm.s32 @p0 $0x2  }
0xc3: {  	_ =	swait.ge @p0 [sflag:s20], $0xA00  }
0xc4: {  	[sflag:s20] =	ssyncset.done @p0 $0x0  }
0xc5: {  	[sflag:s20] =	ssyncadd.s32 @p0 $0xFFFFF600;
	s20 =	simm.s32 @!p0 $0x5000  }
0xc6: {  	[hbm4b:s10+s19] =	stream.linear.scatter @!p0 [tilespmem:s20], [sflag:$0x2], $0x2800, $0x38;
	[tilespmem:$0x7AF8] =	vst v63  }
0xc7: {  	s19 =	simm.s32 @!p0 $0x2  }
0xc8: {  	_ =	swait.ge @!p0 [sflag:s19], $0x2800  }
0xc9: {  	s21 =	simm.s32 @!p1 $0x1C02;
	[sflag:s19] =	ssyncset.done @!p0 $0x0  }
0xca: {  	s20 =	sshrl.u32 @!p1 s1, $0x3;
	[sflag:s19] =	ssyncadd.s32 @!p0 $0xFFFFD800;
	s19 =	simm.s32 @!p1 $0x2  }
0xcb: {  	[spmem:s20], [sflag:s21] =	dma.local @!p1 [hbm:s4], $0x4F0  }
0xcc: {  	_ =	swait.ge @!p1 [sflag:s19], $0x4F0  }
0xcd: {  	[sflag:s19] =	ssyncset.done @!p1 $0x0  }
.Ltmp3:
0xce: {  	[sflag:s19] =	ssyncadd.s32 @!p1 $0xFFFFFB10;
	(pc) =	sbr.rel @!p2 .LBB2_8-.Ltmp3, $4  }
0xcf: {  	s23 =	simm.s32 $0x2800;
	s22 =	simm.s32 $0x5000;
	[bflag:$0x0] =	sbarrier.arrive $0xFFFF  }
0xd0: {  	[spmem:s1] =	stream.indirect.scatter.add.f32 [tilespmem:s22], [sflag:$0x2], $0x1, s23, s16, $0xb8;
	[tilespmem:$0x7AF8] =	vst v63  }
0xd1: {  	_ =	swait.ge [sflag:s15], $0x80  }
0xd2: {  	[sflag:s15] =	ssyncset.done $0x0  }
.LBB2_7:
0xd3: {  	[sflag:s15] =	ssyncadd.s32 $0xFFFFFF80  }
0xd4: {  	s22 =	sadd.s32 $0x80, s22;
	s23 =	sadd.s32 $0x80, s23;
	p2 =	sne.s32 s18, $0x1  }
.Ltmp4:
0xd5: {  	s18 =	sadd.s32 $0xFFFFFFFF, s18;
	(pc) =	sbr.rel @p2 .LBB2_7-.Ltmp4, $4  }
0xd6: {  	_ = 	snop  }
0xd7: {  	[spmem:s1] =	stream.indirect.scatter.add.f32 [tilespmem:s22], [sflag:$0x2], $0x1, s23, s16, $0xb8;
	[tilespmem:$0x7AF8] =	vst v63  }
0xd8: {  	_ =	swait.ge [sflag:s15], $0x80  }
0xd9: {  	[sflag:s15] =	ssyncset.done $0x0  }
.LBB2_8:
0xda: {  	[sflag:s15] =	ssyncadd.s32 $0xFFFFFF80  }
0xdb: {  	s18 =	simm.s32 @!p1 $0x1;
	s22 =	simm.s32 @!p1 $0x20;
	s17 =	sadd.s32 $0x1, s17  }
0xdc: {  	s23 =	simm.s32 @!p1 $0x10;
	[bflag:$0x0] =	sbarrier.arrive $0xFFFF;
	p2 =	sne.s32 s17, s13  }
0xdd: {  	[hbm:s12@s22], [sflag:s21] =	dma.strided @!p1 [spmem:s20@s23], $0x4F0, s18, $0x10   }
.Ltmp5:
0xde: {  	_ = 	snop;
	(pc) =	sbr.rel @p2 .LBB2_1-.Ltmp5, $4  }
.Ltmp6:
0xdf: {  	_ = 	snop;
	(pc) =	sbr.rel @!p2 .LBB2_9-.Ltmp6, $4  }
0xe0: {  	_ =	swait.ge @!p1 [sflag:s19], $0x4F0  }
0xe1: {  	[sflag:s19] =	ssyncset.done @!p1 $0x0  }
0xe2: {  	[sflag:s19] =	ssyncadd.s32 @!p1 $0xFFFFFB10  }
0xe3: {  	_ = 	snop  }
.LBB2_2:
.Ltmp7:
0xe4: {  	(pc) =	sbr.rel .LBB2_6-.Ltmp7, $2  }
0xe5: {  	_ =	sdelay $0x2  }
0xe6: {  	s23 =	simm.s32 $0x5040  }
.LBB2_4:
.Ltmp8:
0xe7: {  	(pc) =	sbr.rel .LBB2_6-.Ltmp8, $2  }
0xe8: {  	_ =	sdelay $0x2  }
0xe9: {  	s23 =	simm.s32 $0x5040  }
.LBB2_9:
0xea: {  	_ =	sfence.sel $0x180000  }
0xeb: {  	[bflag:$0x0] =	sbarrier.arrive $0xFFFF  }
0xec: {  	_ =	strace $0x90000047  }
0xed: {  	s0 =	sadd.s32 @!p1 $0x100000, s0;
	[bflag:$0x2] =	sbarrier.arrive $0xFFFF  }
0xee: {  	[sflag:s0] =	ssyncadd.tile.s32 @!p1 $0x1;
	_ =	shalt  }
.Lfunc_end2:
_tile_overlayer_lowered:
.L_overlay_start_2:
0xef: {  	(tag) =	ssettag $0x2  }
0xf0: {  	s0 =	rddreg [dreg:$0x0];
	s2 =	stileid.u32  }
0xf1: {  	s1 =	rddreg [dreg:$0x1];
	p0 =	sne.s32 s2, $0x0  }
0xf2: {  	s3 =	rddreg [dreg:$0x2];
	[bflag:$0x3] =	sbarrier.arrive $0xFFFF;
	s2 =	simm.s32 @!p0 $0x1C02  }
0xf3: {  	[timem:s3], [sflag:s2] =	dma.local @!p0 [hbm:s0], s1  }
0xf4: {  	s0 =	simm.s32 @!p0 $0x2  }
0xf5: {  	_ =	swait.ge @!p0 [sflag:s0], s1  }
0xf6: {  	s1 =	ssub.s32 @!p0 $0x0, s1;
	[sflag:s0] =	ssyncset.done @!p0 $0x0  }
0xf7: {  	[sflag:s0] =	ssyncadd.s32 @!p0 s1  }
0xf8: {  	[bflag:$0x3] =	sbarrier.arrive $0xFFFF  }
0xf9: {  	_ =	shalt  }

// kernel: kernel.8.cloned.1.call-start
scs
__scs_entry_jumppad:
0x0: {  	(pc) =	sbr.rel $0x88, $3  }
0x1: {  	(tag) =	ssettag $0x0;
	lr =	simm.s32 $0x1  }
0x2: {  	[smem:$0x3F9E] =	sst lr;
	_ =	strace $0xD0000000  }
0x3: {  	_ = 	snop  }
0x4: {  	_ = 	snop  }
0x5: {  	_ = 	snop  }
0x6: {  	_ = 	snop  }
0x7: {  	_ = 	snop  }
__scs_overlays_trampoline_lowered:
0x8: {  	[smem:$0x3FAD] =	sst s0  }
0x9: {  	[smem:$0x3FAE] =	sst s1  }
0xa: {  	[smem:$0x3FAF] =	sst s2  }
0xb: {  	[smem:$0x3FB0] =	sst s3  }
0xc: {  	[smem:$0x3FB1] =	sst s4  }
0xd: {  	[smem:$0x3FB2] =	sst s5  }
0xe: {  	[smem:$0x3FB3] =	sst s6  }
0xf: {  	[smem:$0x3FB4] =	sst s7  }
0x10: {  	[smem:$0x3FB5] =	sst s8  }
0x11: {  	[smem:$0x3FB6] =	sst s9;
	s0 =	simm.s32 @!p0 $0x0  }
0x12: {  	s1 =	sld [smem:$0x3F9C];
	s0 =	simm.s32 @p0 $0x1  }
0x13: {  	[smem:$0x3FB7] =	sst s0;
	s0 =	simm.s32 @!p1 $0x0  }
0x14: {  	s2 =	sld [smem:$0x3F9B];
	s0 =	simm.s32 @p1 $0x1  }
0x15: {  	[smem:$0x3FB8] =	sst s0;
	s0 =	simm.s32 @!p2 $0x0  }
0x16: {  	s3 =	sld [smem:$0x3FDB];
	s0 =	simm.s32 @p2 $0x1  }
0x17: {  	s4 =	simm.s32 $0x1BF5;
	[smem:$0x3FBA] =	sst s0  }
0x18: {  	s0 =	sld [smem:$0x3F9D];
	_ =	swait.ge [sflag:s4], $0x0  }
0x19: {  	s7 =	sld [smem:$0x3F9E]  }
0x1a: {  	s8 =	sadd.s32 $0xFFFFE003, lr  }
0x1b: {  	s9 =	sadd.s32 $0xFFFFFEF7, lr;
	s5 =	simm.s32 $0xFFFFFFFF;
	p2 =	slt.u32 s8, $0xFFFFF086  }
0x1c: {  	p1 =	slt.u32 s9, $0xF7A;
	s5 =	simm.s32 @!p2 $0x0  }
0x1d: {  	s5 =	simm.s32 @p1 $0x1;
	p0 =	seq.s32 s7, s2  }
0x1e: {  	s7 =	smul.u32 @!p0 $0xF7A, s2;
	p2 =	seq.s32 @!p0 s5, $0x0  }
0x1f: {  	s9 =	smul.u32 $0xF7A, s1;
	s8 =	simm.s32 @!p0 $0x1BF5;
	p2 =	por !p2, p0  }
0x20: {  	[sflag:s8] =	ssyncset.s32 @!p0 $0xFFFFF086;
	s6 =	sadd.s32 @!p0 s3, s7;
	s7 =	simm.s32 @!p0 $0x108  }
0x21: {  	s3 =	sadd.s32 s3, s9;
	s6 =	sadd.s32 @!p0 $0x88, s6;
	s7 =	simm.s32 @p2 $0x1082  }
0x22: {  	[simem:s7], [sflag:s8] =	dma.local @!p0 [hbm:s6], $0xF7A  }
0x23: {  	s9 =	sor.u32 $0xD0000000, s2;
	s6 =	simm.s32 $0x108;
	_ =	swait.ge @!p0 [sflag:s8], $0x0  }
0x24: {  	s3 =	sadd.s32 $0x88, s3;
	s6 =	simm.s32 @!p1 $0x1082;
	[sflag:s4] =	ssyncset.s32 $0xFFFFF086  }
0x25: {  	[simem:s6], [sflag:s4] =	dma.local [hbm:s3], $0xF7A  }
0x26: {  	[smem:$0x3F9E] =	sst s1;
	(tag) =	ssettag s2;
	_ =	strace s9  }
0x27: {  	s1 =	sld [smem:$0x3FAE]  }
0x28: {  	s2 =	sld [smem:$0x3FAF]  }
0x29: {  	s4 =	sld [smem:$0x3FB1]  }
0x2a: {  	p0 =	seq.s32 s5, $0x0;
	s5 =	sld [smem:$0x3FB2]  }
0x2b: {  	s6 =	sld [smem:$0x3FB3]  }
0x2c: {  	s7 =	sld [smem:$0x3FB4]  }
0x2d: {  	s3 =	simm.s32 $0x108;
	s8 =	sld [smem:$0x3FB5]  }
0x2e: {  	s3 =	simm.s32 @!p0 $0x1082;
	s9 =	sld [smem:$0x3FB6]  }
0x2f: {  	lr =	sadd.s32 s0, s3;
	s0 =	sld [smem:$0x3FAD]  }
0x30: {  	s3 =	sld [smem:$0x3FB0]  }
0x31: {  	[smem:$0x3FB9] =	sst s10  }
0x32: {  	s10 =	sld [smem:$0x3FB7];
	_ =	sdelay $0x3  }
0x33: {  	p0 =	seq.s32 s10, $0x1;
	s10 =	sld [smem:$0x3FB9];
	_ =	sdelay $0x3  }
0x34: {  	[smem:$0x3FB9] =	sst s10  }
0x35: {  	s10 =	sld [smem:$0x3FB8];
	_ =	sdelay $0x3  }
0x36: {  	p1 =	seq.s32 s10, $0x1;
	s10 =	sld [smem:$0x3FB9];
	_ =	sdelay $0x3  }
0x37: {  	[smem:$0x3FB9] =	sst s10  }
0x38: {  	s10 =	sld [smem:$0x3FBA]  }
0x39: {  	_ = 	snop;
	(pc) =	sbr.ind lr, $3  }
0x3a: {  	_ = 	snop  }
0x3b: {  	_ = 	snop  }
0x3c: {  	p2 =	seq.s32 s10, $0x1;
	s10 =	sld [smem:$0x3FB9]  }
0x3d: {  	_ =	shalt  }
0x3e: {  	_ =	shalt  }
0x3f: {  	_ =	shalt  }
0x40: {  	_ =	shalt  }
0x41: {  	_ =	shalt  }
0x42: {  	_ =	shalt  }
0x43: {  	_ =	shalt  }
0x44: {  	_ =	shalt  }
0x45: {  	_ =	shalt  }
0x46: {  	_ =	shalt  }
0x47: {  	_ =	shalt  }
0x48: {  	_ =	shalt  }
0x49: {  	_ =	shalt  }
0x4a: {  	_ =	shalt  }
0x4b: {  	_ =	shalt  }
0x4c: {  	_ =	shalt  }
0x4d: {  	_ =	shalt  }
0x4e: {  	_ =	shalt  }
0x4f: {  	_ =	shalt  }
0x50: {  	_ =	shalt  }
0x51: {  	_ =	shalt  }
0x52: {  	_ =	shalt  }
0x53: {  	_ =	shalt  }
0x54: {  	_ =	shalt  }
0x55: {  	_ =	shalt  }
0x56: {  	_ =	shalt  }
0x57: {  	_ =	shalt  }
0x58: {  	_ =	shalt  }
0x59: {  	_ =	shalt  }
0x5a: {  	_ =	shalt  }
0x5b: {  	_ =	shalt  }
0x5c: {  	_ =	shalt  }
0x5d: {  	_ =	shalt  }
0x5e: {  	_ =	shalt  }
0x5f: {  	_ =	shalt  }
0x60: {  	_ =	shalt  }
0x61: {  	_ =	shalt  }
0x62: {  	_ =	shalt  }
0x63: {  	_ =	shalt  }
0x64: {  	_ =	shalt  }
0x65: {  	_ =	shalt  }
0x66: {  	_ =	shalt  }
0x67: {  	_ =	shalt  }
0x68: {  	_ =	shalt  }
0x69: {  	_ =	shalt  }
0x6a: {  	_ =	shalt  }
0x6b: {  	_ =	shalt  }
0x6c: {  	_ =	shalt  }
0x6d: {  	_ =	shalt  }
0x6e: {  	_ =	shalt  }
0x6f: {  	_ =	shalt  }
0x70: {  	_ =	shalt  }
0x71: {  	_ =	shalt  }
0x72: {  	_ =	shalt  }
0x73: {  	_ =	shalt  }
0x74: {  	_ =	shalt  }
0x75: {  	_ =	shalt  }
0x76: {  	_ =	shalt  }
0x77: {  	_ =	shalt  }
0x78: {  	_ =	shalt  }
0x79: {  	_ =	shalt  }
0x7a: {  	_ =	shalt  }
0x7b: {  	_ =	shalt  }
0x7c: {  	_ =	shalt  }
0x7d: {  	_ =	shalt  }
0x7e: {  	_ =	shalt  }
0x7f: {  	_ =	shalt  }
0x80: {  	_ =	shalt  }
0x81: {  	_ =	shalt  }
0x82: {  	_ =	shalt  }
0x83: {  	_ =	shalt  }
0x84: {  	_ =	shalt  }
0x85: {  	_ =	shalt  }
0x86: {  	_ =	shalt  }
0x87: {  	_ =	shalt  }
.Lfunc_end0:
.L_simem_size_0:
called_computation.1_lowered:
.L_overlay_start_0:
0x88: {  	s2 =	sld [smem:$0x3FD9]  }
0x89: {  	s3 =	sld [smem:$0x3FFE];
	_ =	sdelay $0x1  }
0x8a: {  	s1 =	srdreg.scid  }
0x8b: {  	s0 =	sand.u32 $0x1, s1  }
0x8c: {  	s17 =	sshll.u32 s0, $0xA;
	s2 =	sadd.s32 s3, s2  }
0x8d: {  	s2 =	sadd.s32 s2, s17  }
0x8e: {  	[smem:$0x3FC5] =	sst s2  }
0x8f: {  	_ = 	snop  }
0x90: {  	s2 =	sld [smem:$0x3FC7]  }
0x91: {  	s18 =	sld [smem:$0x3FD0];
	(tm) =	ssettm $0x1  }
0x92: {  	s4 =	sld [smem:$0x3FFB];
	_ =	sdelay $0x3  }
0x93: {  	_ =	strace s4  }
0x94: {  	s4 =	sld [smem:$0x3FFC];
	_ =	sdelay $0x3  }
0x95: {  	_ =	strace s4  }
0x96: {  	s4 =	sld [smem:$0x3FFD];
	_ =	sdelay $0x3  }
0x97: {  	_ =	strace s4  }
0x98: {  	_ =	strace $0x8FFFFFFF  }
0x99: {  	s19 =	sld [smem:$0x3FDB];
	_ =	sdelay $0x1  }
0x9a: {  	s5 =	simm.s32 $_scs_section_size  }
0x9b: {  	s6 =	simm.s32 $_size__tile_overlayer_lowered;
	s7 =	simm.s32 $_tile_overlayer_lowered  }
0x9c: {  	s22 =	simm.s32 $0x1BFF;
	s21 =	sshll.u32 s7, $0x1;
	s4 =	sadd.s32 s5, s19  }
0x9d: {  	s8 =	simm.s32 $0x0;
	s20 =	sshll.u32 s6, $0x1;
	s6 =	sadd.s32 s21, s4  }
0x9e: {  	[timem:s8], [sflag:s22] =	dma.local [hbm:s6], s20  }
0x9f: {  	_ =	swait.ge [sflag:s22], s20  }
0xa0: {  	s5 =	ssub.s32 $0x0, s20;
	[sflag:s22] =	ssyncset.done $0x0  }
0xa1: {  	[sflag:s22] =	ssyncadd.s32 s5;
	_ =	sdelay $0x1  }
0xa2: {  	s23 =	simm.s32 $0x1B8B  }
0xa3: {  	_ =	swait.ge [sflag:s23], $0x1  }
0xa4: {  	[sflag:s23] =	ssyncset.done $0x0  }
0xa5: {  	s25 =	simm.s32 $0x1B8E;
	s24 =	sld [smem:$0x3FFE];
	[sflag:s23] =	ssyncadd.s32 $0xFFFFFFFF  }
0xa6: {  	s26 =	simm.s32 $execute0_lowered;
	[smem:$0x3FD2] =	sst s25  }
0xa7: {  	s6 =	sshll.u32 s26, $0x1;
	_ =	strace $0x80000049;
	[dreg:$0x1] =	wrdreg $0xFFFFFFFF  }
0xa8: {  	s28 =	simm.s32 $_size_execute0_lowered;
	s4 =	sadd.s32 s4, s6;
	[dreg:$0x0] =	wrdreg $0x0  }
0xa9: {  	s6 =	sshll.u32 s28, $0x1;
	[dreg:$0x2] =	wrdreg s4  }
0xaa: {  	[dreg:$0x3] =	wrdreg s6  }
0xab: {  	[dreg:$0x4] =	wrdreg $0xC0  }
0xac: {  	_ =	task [dreg:s8], $0x5FFFF  }
0xad: {  	[dreg:$0x1] =	wrdreg $0xFFFFFFFF  }
0xae: {  	[dreg:$0x0] =	wrdreg $0x60  }
0xaf: {  	[dreg:$0x2] =	wrdreg s24  }
0xb0: {  	[dreg:$0x3] =	wrdreg s2  }
0xb1: {  	[dreg:$0x4] =	wrdreg s18  }
0xb2: {  	[dreg:$0x5] =	wrdreg $0x9  }
0xb3: {  	_ =	task.clear_ibuf [dreg:s8], $0x6FFFF;
	_ =	strace $0x90000049  }
0xb4: {  	s29 =	simm.s32 $0x9;
	_ =	strace $0x8000004B  }
0xb5: {  	_ =	swait.ge [sflag:s29], $0x1  }
0xb6: {  	[sflag:s29] =	ssyncadd.s32 $0xFFFFFFFF  }
0xb7: {  	_ =	strace $0x9000004B  }
0xb8: {  	_ =	sfence  }
0xb9: {  	s30 =	sld [smem:$0x0];
	_ =	sdelay $0x2  }
0xba: {  	s31 =	sshll.u32 s1, $0xD;
	s1 =	sshrl.u32 s1, $0x2  }
0xbb: {  	s3 =	sand.u32 $0x4000, s31;
	s1 =	sadd.s32 s1, s30  }
0xbc: {  	s0 =	sor.u32 s3, s0;
	s1 =	sshll.u32 s1, $0x11  }
0xbd: {  	s0 =	sor.u32 s1, s0  }
0xbe: {  	s0 =	sadd.s32 $0x8F2B, s0  }
0xbf: {  	[sflag:s0] =	ssyncadd.remote.s32 $0x1  }
0xc0: {  	_ =	sfence.sel $0xFFFF  }
0xc1: {  	[dreg:$0x0] =	wrdreg $0xFFFFFFFF;
	(pc) =	sbr.abs _section_cstart, $3  }
0xc2: {  	[dreg:$0x1] =	wrdreg $0xFFFFFFFF  }
0xc3: {  	_ =	task.clear_ibuf [dreg:s8], $0x2FFFF;
	_ =	strace $0x9FFFFFFF  }
0xc4: {  	(tm) =	ssettm $0x7FFFFFFF  }
0xc5: {  	_ =	shalt  }
tec
execute0_lowered:
.L_overlay_start_1:
0x0: {  	(tag) =	ssettag $0x1  }
0x1: {  	s7 =	rddreg [dreg:$0x0]  }
0x2: {  	s0 =	srdreg.scid;
	s8 =	rddreg [dreg:$0x1]  }
0x3: {  	s10 =	rddreg [dreg:$0x2];
	s1 =	stileid.u32  }
0x4: {  	s2 =	simm.s32 $0x0;
	s12 =	simm.s32 $0x7800;
	s13 =	simm.s32 $0x2  }
0x5: {  	s14 =	simm.s32 $0xC700;
	s3 =	sand.u32 $0x1, s0;
	s0 =	rddreg [dreg:$0x3]  }
0x6: {  	s15 =	simm.s32 $0x0;
	[smem:$0x7FF] =	sst s2;
	s4 =	sshll.u32 s3, $0x4  }
0x7: {  	_ =	strace $0x8000004A;
	s5 =	ssub.s32 $0x2, s3;
	s4 =	sor.u32 s1, s4  }
0x8: {  	s3 =	sadd.s32 $0xB600, s7;
	s11 =	sshrl.u32 s5, $0x1;
	s9 =	smul.u32 $0x500, s4  }
0x9: {  	s11 =	ssub.s32 s5, s11;
	p0 =	seq.s32 s4, $0x1F;
	s4 =	simm.s32 $0x14  }
0xa: {  	s4 =	simm.s32 @!p0 $0x50;
	s11 =	smax.u32 s11, $0x1;
	s6 =	sadd.s32 s9, s7  }
0xb: {  	s7 =	sadd.s32 $0xB300, s7;
	s5 =	sadd.s32 $0x1800, s6;
	s6 =	sadd.s32 s8, s9  }
0xc: {  	s8 =	sadd.s32 $0x9B00, s8;
	s9 =	sadd.s32 s10, s9;
	s10 =	sadd.s32 $0x9B00, s10  }
.LBB2_1:
0xd: {  	s16 =	simm.s32 @p0 $0x0  }
0xe: {  	[tilespmem:s16], [sflag:$0x1] =	stream.linear.gather @p0 [hbm4b:s7+s16], $0xA00, $0x38;
	[tilespmem:$0xEE80] =	vst v63  }
0xf: {  	s17 =	simm.s32 @p0 $0x2800  }
0x10: {  	[tilespmem:s17], [sflag:$0x1] =	stream.linear.gather @p0 [hbm4b:s8+s16], $0xA00, $0x38;
	[tilespmem:$0xEE80] =	vst v63  }
0x11: {  	s16 =	simm.s32 @!p0 $0x0  }
0x12: {  	[tilespmem:s16], [sflag:$0x1] =	stream.linear.gather @!p0 [hbm4b:s5+s16], $0x2800, $0x38;
	[tilespmem:$0xEE80] =	vst v63  }
0x13: {  	s17 =	simm.s32 @!p0 $0x2800  }
0x14: {  	[tilespmem:s17], [sflag:$0x1] =	stream.linear.gather @!p0 [hbm4b:s6+s16], $0x2800, $0x38;
	[tilespmem:$0xEE80] =	vst v63  }
0x15: {  	_ = 	snop  }
0x16: {  	[tilespmem:s12], [sflag:$0x2] =	stream.linear.gather [hbm4b:s3+s2], $0x4F00, $0x38;
	[tilespmem:$0xEE80] =	vst v63  }
0x17: {  	_ =	swait.ge [sflag:s13], $0x4F00  }
0x18: {  	[sflag:s13] =	ssyncset.done $0x0  }
0x19: {  	s16 =	simm.s32 @p0 $0x1;
	[sflag:s13] =	ssyncadd.s32 $0xFFFFB100  }
0x1a: {  	_ =	swait.ge @p0 [sflag:s16], $0xA00  }
0x1b: {  	[sflag:s16] =	ssyncset.done @p0 $0x0  }
0x1c: {  	[sflag:s16] =	ssyncadd.s32 @p0 $0xFFFFF600  }
0x1d: {  	_ =	swait.ge @p0 [sflag:s16], $0xA00  }
0x1e: {  	[sflag:s16] =	ssyncset.done @p0 $0x0  }
0x1f: {  	[sflag:s16] =	ssyncadd.s32 @p0 $0xFFFFF600;
	s16 =	simm.s32 @!p0 $0x1  }
0x20: {  	_ =	swait.ge @!p0 [sflag:s16], $0x2800  }
0x21: {  	[sflag:s16] =	ssyncset.done @!p0 $0x0  }
0x22: {  	[sflag:s16] =	ssyncadd.s32 @!p0 $0xFFFFD800  }
0x23: {  	_ =	swait.ge @!p0 [sflag:s16], $0x2800  }
0x24: {  	s28 =	sand.u32 $0x70, s2;
	s18 =	sand.u32 $0x7F00, s2;
	[sflag:s16] =	ssyncset.done @!p0 $0x0  }
0x25: {  	s29 =	sor.u32 s28, s18;
	[sflag:s16] =	ssyncadd.s32 @!p0 $0xFFFFD800  }
0x26: {  	v0 =	vld [tilespmem:s29+$0x7880]  }
0x27: {  	v1 =	vld [tilespmem:s29+$0x7800];
	_ =	sdelay $0x4  }
0x28: {  	s30 =	simm.s32 $0x10;
	s16 =	simm.s32 $0x20;
	v0 =	vadd.f32 v0, v1  }
0x29: {  	s17 =	sand.u32 $0x70, s30;
	s31 =	sand.u32 $0x7F00, s16  }
0x2a: {  	s18 =	simm.s32 $0x20;
	s19 =	sor.u32 s17, s31;
	s17 =	simm.s32 $0xC700;
	[tilespmem:s14+$0x0] =	vst v0  }
.LBB2_2:
0x2b: {  	p1 =	sne.s32 s18, $0x2710;
	v0 =	vld [tilespmem:s19+$0x7880]  }
0x2c: {  	v1 =	vld [tilespmem:s19+$0x7800];
	_ =	sdelay $0x2  }
.Ltmp0:
0x2d: {  	(pc) =	sbr.rel @p1 .LBB2_2-.Ltmp0, $4  }
0x2e: {  	_ = 	snop  }
0x2f: {  	s16 =	sadd.s32 $0x20, s16;
	v0 =	vadd.f32 v0, v1  }
0x30: {  	s17 =	sadd.s32 $0x10, s17;
	s19 =	sand.u32 $0x70, s18;
	s20 =	sand.u32 $0x7F00, s16  }
0x31: {  	s18 =	sadd.s32 $0x10, s18;
	s19 =	sor.u32 s19, s20;
	[tilespmem:s17+$0x0] =	vst v0  }
0x32: {  	v0 =	vld [tilespmem:s19+$0x7880]  }
0x33: {  	v1 =	vld [tilespmem:s19+$0x7800];
	_ =	sdelay $0x4  }
0x34: {  	v0 =	vadd.f32 v0, v1  }
0x35: {  	s16 =	sadd.s32 $0x10, s17;
	s17 =	simm.s32 $0x40  }
0x36: {  	s18 =	simm.s32 $0x5040;
	s19 =	smov.u32 s4;
	[tilespmem:s16+$0x0] =	vst v0;
	s16 =	simm.s32 $0x2840  }
.LBB2_4:
0x37: {  	v0 =	vld [tilespmem:s16+$0xFFFFFFC0];
	_ =	sdelay $0x7  }
0x38: {  	v0 =	vld.idx.msk [tilespmem:v0+s14+$0x0], $0xffff;
	_ =	sdelay $0x4  }
0x39: {  	(erf) = vrcp.f32 v0;
	_ =	sdelay $0x4  }
0x3a: {  	v49 =	vld [tilespmem:s17+$0xFFFFFFC0];
	_ =	sdelay $0x3  }
0x3b: {  	v1 =	vpop (erf)  }
0x3c: {  	v0 =	vmul.f32 v1, v49;
	_ =	sdelay $0x1  }
0x3d: {  	[tilespmem:s18+$0xFFFFFFC0] =	vst v0  }
0x3e: {  	v0 =	vld [tilespmem:s16+$0xFFFFFFD0];
	_ =	sdelay $0x7  }
0x3f: {  	v0 =	vld.idx.msk [tilespmem:v0+s14+$0x0], $0xffff;
	_ =	sdelay $0x4  }
0x40: {  	(erf) = vrcp.f32 v0;
	_ =	sdelay $0x4  }
0x41: {  	v50 =	vld [tilespmem:s17+$0xFFFFFFD0];
	_ =	sdelay $0x3  }
0x42: {  	v51 =	vpop (erf)  }
0x43: {  	v0 =	vmul.f32 v51, v50;
	_ =	sdelay $0x1  }
0x44: {  	[tilespmem:s18+$0xFFFFFFD0] =	vst v0  }
0x45: {  	v0 =	vld [tilespmem:s16+$0xFFFFFFE0];
	_ =	sdelay $0x7  }
0x46: {  	v0 =	vld.idx.msk [tilespmem:v0+s14+$0x0], $0xffff;
	_ =	sdelay $0x4  }
0x47: {  	(erf) = vrcp.f32 v0;
	_ =	sdelay $0x4  }
0x48: {  	v52 =	vld [tilespmem:s17+$0xFFFFFFE0];
	_ =	sdelay $0x3  }
0x49: {  	v53 =	vpop (erf)  }
0x4a: {  	v0 =	vmul.f32 v53, v52;
	_ =	sdelay $0x1  }
0x4b: {  	[tilespmem:s18+$0xFFFFFFE0] =	vst v0  }
0x4c: {  	v0 =	vld [tilespmem:s16+$0xFFFFFFF0];
	_ =	sdelay $0x7  }
0x4d: {  	v0 =	vld.idx.msk [tilespmem:v0+s14+$0x0], $0xffff;
	_ =	sdelay $0x4  }
0x4e: {  	(erf) = vrcp.f32 v0;
	_ =	sdelay $0x4  }
0x4f: {  	v54 =	vld [tilespmem:s17+$0xFFFFFFF0];
	_ =	sdelay $0x3  }
0x50: {  	v55 =	vpop (erf)  }
0x51: {  	v0 =	vmul.f32 v55, v54;
	_ =	sdelay $0x1  }
0x52: {  	[tilespmem:s18+$0xFFFFFFF0] =	vst v0  }
0x53: {  	v0 =	vld [tilespmem:s16+$0x0];
	_ =	sdelay $0x7  }
0x54: {  	v0 =	vld.idx.msk [tilespmem:v0+s14+$0x0], $0xffff;
	_ =	sdelay $0x4  }
0x55: {  	(erf) = vrcp.f32 v0;
	_ =	sdelay $0x4  }
0x56: {  	v56 =	vld [tilespmem:s17+$0x0];
	_ =	sdelay $0x3  }
0x57: {  	v57 =	vpop (erf)  }
0x58: {  	v0 =	vmul.f32 v57, v56;
	_ =	sdelay $0x1  }
0x59: {  	[tilespmem:s18+$0x0] =	vst v0  }
0x5a: {  	v0 =	vld [tilespmem:s16+$0x10];
	_ =	sdelay $0x7  }
0x5b: {  	v0 =	vld.idx.msk [tilespmem:v0+s14+$0x0], $0xffff;
	_ =	sdelay $0x4  }
0x5c: {  	(erf) = vrcp.f32 v0;
	_ =	sdelay $0x4  }
0x5d: {  	v58 =	vld [tilespmem:s17+$0x10];
	_ =	sdelay $0x3  }
0x5e: {  	v59 =	vpop (erf)  }
0x5f: {  	v0 =	vmul.f32 v59, v58;
	_ =	sdelay $0x1  }
0x60: {  	[tilespmem:s18+$0x10] =	vst v0  }
0x61: {  	v0 =	vld [tilespmem:s16+$0x20];
	_ =	sdelay $0x7  }
0x62: {  	v0 =	vld.idx.msk [tilespmem:v0+s14+$0x0], $0xffff;
	_ =	sdelay $0x4  }
0x63: {  	(erf) = vrcp.f32 v0;
	_ =	sdelay $0x4  }
0x64: {  	v60 =	vld [tilespmem:s17+$0x20];
	_ =	sdelay $0x3  }
0x65: {  	v61 =	vpop (erf)  }
0x66: {  	v0 =	vmul.f32 v61, v60;
	_ =	sdelay $0x1  }
0x67: {  	[tilespmem:s18+$0x20] =	vst v0  }
0x68: {  	v0 =	vld [tilespmem:s16+$0x30];
	_ =	sdelay $0x7  }
0x69: {  	v0 =	vld.idx.msk [tilespmem:v0+s14+$0x0], $0xffff;
	_ =	sdelay $0x4  }
0x6a: {  	(erf) = vrcp.f32 v0;
	_ =	sdelay $0x4  }
0x6b: {  	v62 =	vld [tilespmem:s17+$0x30];
	_ =	sdelay $0x1  }
0x6c: {  	p1 =	sne.s32 s19, $0x1  }
.Ltmp1:
0x6d: {  	_ = 	snop;
	(pc) =	sbr.rel @p1 .LBB2_4-.Ltmp1, $4  }
0x6e: {  	v63 =	vpop (erf)  }
0x6f: {  	v0 =	vmul.f32 v63, v62  }
0x70: {  	s19 =	sadd.s32 $0xFFFFFFFF, s19  }
0x71: {  	s16 =	sadd.s32 $0x80, s16;
	s17 =	sadd.s32 $0x80, s17;
	[tilespmem:s18+$0x30] =	vst v0;
	s18 =	sadd.s32 $0x80, s18  }
0x72: {  	s16 =	simm.s32 @p0 $0x0;
	s17 =	simm.s32 @p0 $0x5000  }
0x73: {  	[hbm4b:s10+s16] =	stream.linear.scatter @p0 [tilespmem:s17], [sflag:$0x2], $0xA00, $0x38;
	[tilespmem:$0xEE80] =	vst v63  }
0x74: {  	s16 =	simm.s32 @p0 $0x2  }
0x75: {  	_ =	swait.ge @p0 [sflag:s16], $0xA00  }
0x76: {  	s15 =	sadd.s32 $0x1, s15;
	s17 =	simm.s32 @!p0 $0x5000;
	[sflag:s16] =	ssyncset.done @p0 $0x0  }
0x77: {  	p1 =	sne.s32 s15, s11;
	[sflag:s16] =	ssyncadd.s32 @p0 $0xFFFFF600;
	s16 =	simm.s32 @!p0 $0x0  }
0x78: {  	[hbm4b:s9+s16] =	stream.linear.scatter @!p0 [tilespmem:s17], [sflag:$0x2], $0x2800, $0x38;
	[tilespmem:$0xEE80] =	vst v63  }
.Ltmp2:
0x79: {  	_ = 	snop;
	(pc) =	sbr.rel @p1 .LBB2_1-.Ltmp2, $4  }
0x7a: {  	s16 =	simm.s32 @!p0 $0x2  }
0x7b: {  	_ =	swait.ge @!p0 [sflag:s16], $0x2800  }
0x7c: {  	[sflag:s16] =	ssyncset.done @!p0 $0x0  }
0x7d: {  	[sflag:s16] =	ssyncadd.s32 @!p0 $0xFFFFD800  }
0x7e: {  	_ =	sfence.sel $0x180000  }
0x7f: {  	[bflag:$0x0] =	sbarrier.arrive $0xFFFF  }
0x80: {  	p0 =	sne.s32 s1, $0x0;
	_ =	strace $0x9000004A  }
0x81: {  	s0 =	sadd.s32 @!p0 $0x100000, s0;
	[bflag:$0x2] =	sbarrier.arrive $0xFFFF  }
0x82: {  	[sflag:s0] =	ssyncadd.tile.s32 @!p0 $0x1;
	_ =	shalt  }
.Lfunc_end2:
_tile_overlayer_lowered:
.L_overlay_start_2:
0x83: {  	(tag) =	ssettag $0x2  }
0x84: {  	s0 =	rddreg [dreg:$0x0];
	s2 =	stileid.u32  }
0x85: {  	s1 =	rddreg [dreg:$0x1];
	p0 =	sne.s32 s2, $0x0  }
0x86: {  	s3 =	rddreg [dreg:$0x2];
	[bflag:$0x3] =	sbarrier.arrive $0xFFFF;
	s2 =	simm.s32 @!p0 $0x1C02  }
0x87: {  	[timem:s3], [sflag:s2] =	dma.local @!p0 [hbm:s0], s1  }
0x88: {  	s0 =	simm.s32 @!p0 $0x2  }
0x89: {  	_ =	swait.ge @!p0 [sflag:s0], s1  }
0x8a: {  	s1 =	ssub.s32 @!p0 $0x0, s1;
	[sflag:s0] =	ssyncset.done @!p0 $0x0  }
0x8b: {  	[sflag:s0] =	ssyncadd.s32 @!p0 s1  }
0x8c: {  	[bflag:$0x3] =	sbarrier.arrive $0xFFFF  }
0x8d: {  	_ =	shalt  }

</sc_bundles>
